<compile_context>
chip_gen: v7x
topology: tpu7x:2x2x1
jax: 0.10.2.dev20260603
libtpu: 0.0.44.dev20260713+nightly
codegen_flags: <defaults>
</compile_context>

<pallas_src>
import functools

import jax
import jax.numpy as jnp
from jax import lax
from jax.experimental import pallas as pl
from jax.experimental.pallas import tpu as pltpu
from jax.experimental.pallas import tpu_sc as plsc

VOCAB = 1_000_000
HIDDEN = 64
BATCH = 16384
SEQ = 50

LANES = 16
NC = 2
NS = 16
NW = NC * NS
ROWS_PER_W = BATCH // NW
CHUNK = 16
NCHUNK = ROWS_PER_W // CHUNK
GATHER_N = CHUNK * SEQ
NVEC = HIDDEN // LANES

_mesh = plsc.VectorSubcoreMesh(
    core_axis_name="c", subcore_axis_name="s", num_cores=NC)


@functools.partial(
    pl.kernel,
    out_type=jax.ShapeDtypeStruct((BATCH, HIDDEN), jnp.float32),
    mesh=_mesh,
    compiler_params=pltpu.CompilerParams(
        needs_layout_passes=False, use_tc_tiling_on_sc=False),
    scratch_types=[
        [pltpu.VMEM((GATHER_N,), jnp.int32) for _ in range(2)],
        [pltpu.VMEM((GATHER_N, HIDDEN), jnp.float32) for _ in range(2)],
        [pltpu.VMEM((CHUNK, HIDDEN), jnp.float32) for _ in range(2)],
        pltpu.VMEM((LANES,), jnp.float32),
        [[pltpu.SemaphoreType.DMA for _ in range(2)] for _ in range(2)],
        [pltpu.SemaphoreType.DMA for _ in range(2)],
        [pltpu.SemaphoreType.DMA for _ in range(2)],
    ],
)
def _header_embed(tok_hbm, table_hbm, out_hbm, tok_v, rows_v, out_v, rcp_v,
                  gsem, osem, tsem):
    wid = lax.axis_index("s") * NC + lax.axis_index("c")
    wbase = wid * ROWS_PER_W

    lane = lax.iota(jnp.int32, LANES)
    zeros16 = jnp.zeros((LANES,), jnp.int32)

    def stage_tok(g, a):
        tok0 = (wbase + g * CHUNK) * SEQ
        pltpu.async_copy(tok_hbm.at[pl.ds(tok0, GATHER_N)], tok_v[a], tsem[a])

    def wait_tok(g, a):
        tok0 = (wbase + g * CHUNK) * SEQ
        pltpu.make_async_copy(tok_hbm.at[pl.ds(tok0, GATHER_N)], tok_v[a],
                              tsem[a]).wait()

    def counts(a):
        tok = tok_v[a]

        def cnt_body(j, tot):
            v = plsc.load_gather(tok, [lane * SEQ + j])
            return tot + jnp.where(v != 0, 1, 0)

        total = lax.fori_loop(0, SEQ, cnt_body, zeros16, unroll=5)
        rcp_v[...] = 1.0 / total.astype(jnp.float32)

    def accumulate(g, a):
        base = wbase + g * CHUNK
        rows = rows_v[a]

        def row_body(r, carry):
            rbase = r * SEQ
            rcpb = plsc.load_gather(rcp_v, [jnp.broadcast_to(r, (LANES,))])

            def tok_body(j, acc):
                p = rbase + j
                return tuple(
                    acc[k] + rows[p, pl.ds(k * LANES, LANES)]
                    for k in range(NVEC)
                )

            acc = lax.fori_loop(
                0, SEQ, tok_body,
                tuple(jnp.zeros((LANES,), jnp.float32) for _ in range(NVEC)),
                unroll=10)
            for k in range(NVEC):
                out_v[a][r, pl.ds(k * LANES, LANES)] = acc[k] * rcpb
            return carry

        lax.fori_loop(0, CHUNK, row_body, 0)
        pltpu.async_copy(out_v[a], out_hbm.at[pl.ds(base, CHUNK)], osem[a])

    def fire_gather(a):
        pltpu.async_copy(table_hbm.at[tok_v[a]], rows_v[a], gsem[a][0])

    def wait_gather(a):
        pltpu.make_async_copy(table_hbm.at[tok_v[a]], rows_v[a],
                              gsem[a][0]).wait()

    stage_tok(0, 0)
    wait_tok(0, 0)
    fire_gather(0)
    stage_tok(1, 1)

    def loop_body(i, carry):
        for half in range(2):
            g = 2 * i + half
            a = half
            b = 1 - half

            wait_gather(a)

            @pl.when(g + 1 < NCHUNK)
            def _():
                wait_tok(g + 1, b)
                fire_gather(b)

            counts(a)

            @pl.when(g + 2 < NCHUNK)
            def _():
                stage_tok(g + 2, a)

            @pl.when(g >= 2)
            def _():
                pltpu.make_async_copy(
                    out_v[a], out_hbm.at[pl.ds(0, CHUNK)], osem[a]).wait()

            accumulate(g, a)
        return carry

    lax.fori_loop(0, NCHUNK // 2, loop_body, 0)
    for a in range(2):
        pltpu.make_async_copy(out_v[a], out_hbm.at[pl.ds(0, CHUNK)],
                              osem[a]).wait()


def kernel(header_tok, table):
    tok_flat = header_tok.reshape(-1)
    return _header_embed(tok_flat, table)

# --- scband reference (transcript-rebuilt; emitter-appended) ---
"""Pipeline reference for scband-header-embeddings-25134148616202 (READ-ONLY COPY).

The authoritative reference and input builder live on the scoring server;
editing this copy changes nothing except your own understanding.
"""

import jax, jax.numpy as jnp
import numpy as np

VOCAB = 1000000
HIDDEN = 64
BATCH = 16384
SEQ = 50

def setup_inputs(seed: int = 0) -> dict:
    key = jax.random.key(seed)
    k1, k2 = jax.random.split(key)
    header_tok = jax.random.randint(k1, (BATCH, SEQ), 0, VOCAB, dtype=jnp.int32)
    table = jax.random.normal(k2, (VOCAB, HIDDEN), dtype=jnp.float32) * 0.02
    # nn.Embedding with padding_idx=0 initializes row 0 to zeros
    table = table.at[0].set(0.0)
    return {"header_tok": header_tok, "table": table}

def reference(header_tok, table):
    # embedding lookup (gather)
    input_header_tok_embeds = jnp.take(table, header_tok, axis=0)  # [B, L, H]
    # padding_idx=0 row is zero, multiply by mask is equivalent and makes padding explicit
    mask = (header_tok != 0).astype(input_header_tok_embeds.dtype)  # [B, L]
    input_header_tok_embeds = input_header_tok_embeds * mask[:, :, None]
    input_header_length = jnp.sum(header_tok != 0, axis=1).astype(input_header_tok_embeds.dtype)  # [B]
    input_header_embeds = jnp.sum(input_header_tok_embeds, axis=1) / input_header_length[:, None]
    return input_header_embeds

if __name__ == "__main__":
    import jax
    _d = setup_inputs()
    print(jax.jit(kernel)(*tuple(_d.values())))

</pallas_src>

<mosaic_0001>
#map = affine_map<(d0, d1) -> (0)>
#map1 = affine_map<(d0, d1) -> (0, 0)>
module attributes {stable_mosaic.version = 14 : i64} {
  func.func @_header_embed(%arg0: i32, %arg1: i32, %arg2: memref<819200xi32, #tpu.memory_space<hbm>>, %arg3: memref<1000000x64xf32, #tpu.memory_space<hbm>>, %arg4: memref<16384x64xf32, #tpu.memory_space<hbm>>, %arg5: memref<800xi32, #tpu.memory_space<vmem>>, %arg6: memref<800xi32, #tpu.memory_space<vmem>>, %arg7: memref<800x64xf32, #tpu.memory_space<vmem>>, %arg8: memref<800x64xf32, #tpu.memory_space<vmem>>, %arg9: memref<16x64xf32, #tpu.memory_space<vmem>>, %arg10: memref<16x64xf32, #tpu.memory_space<vmem>>, %arg11: memref<16xf32, #tpu.memory_space<vmem>>, %arg12: memref<!tpu.dma_semaphore, #tpu.memory_space<semaphore_mem>>, %arg13: memref<!tpu.dma_semaphore, #tpu.memory_space<semaphore_mem>>, %arg14: memref<!tpu.dma_semaphore, #tpu.memory_space<semaphore_mem>>, %arg15: memref<!tpu.dma_semaphore, #tpu.memory_space<semaphore_mem>>, %arg16: memref<!tpu.dma_semaphore, #tpu.memory_space<semaphore_mem>>, %arg17: memref<!tpu.dma_semaphore, #tpu.memory_space<semaphore_mem>>, %arg18: memref<!tpu.dma_semaphore, #tpu.memory_space<semaphore_mem>>, %arg19: memref<!tpu.dma_semaphore, #tpu.memory_space<semaphore_mem>>) attributes {dimension_semantics = [#tpu.dimension_semantics<core_parallel>, #tpu.dimension_semantics<subcore_parallel>], iteration_bounds = array<i64: 2, 16>, scalar_prefetch = 0 : i64, scratch_operands = 15 : i64, tpu.core_type = #tpu.core_type<sc_vector_subcore>, window_params = [{transform_indices = #map}, {transform_indices = #map1}, {transform_indices = #map1}]} {
    %mul3A = arith.constant 2 : i32
    %mul3A_0 = arith.muli %arg1, %mul3A : i32
    %add3A = arith.addi %mul3A_0, %arg0 : i32
    %mul3A_1 = arith.constant 512 : i32
    %mul3A_2 = arith.muli %add3A, %mul3A_1 : i32
    %iota3A = tpu.iota {dimensions = array<i32: 0>} : vector<16xi32>
    %broadcast_in_dim3A = arith.constant 0 : i32
    %broadcast_in_dim3A_3 = vector.broadcast %broadcast_in_dim3A : i32 to vector<16xi32>
    %add3A_4 = arith.constant 0 : i32
    %add3A_5 = arith.addi %mul3A_2, %add3A_4 : i32
    %mul3A_6 = arith.constant 50 : i32
    %mul3A_7 = arith.muli %add3A_5, %mul3A_6 : i32
    %dma_start3A = tpu.memref_slice %arg2[%mul3A_7] : memref<819200xi32, #tpu.memory_space<hbm>> -> memref<800xi32, #tpu.memory_space<hbm>>
    %dma_start3A_8 = tpu.memref_slice %arg2[%mul3A_7] : memref<819200xi32, #tpu.memory_space<hbm>> -> memref<800xi32, #tpu.memory_space<hbm>>
    tpu.enqueue_dma source(%dma_start3A_8 : memref<800xi32, #tpu.memory_space<hbm>>) target(%arg5 : memref<800xi32, #tpu.memory_space<vmem>>) target_semaphore(%arg18 : memref<!tpu.dma_semaphore, #tpu.memory_space<semaphore_mem>>)
    %add3A_9 = arith.constant 0 : i32
    %add3A_10 = arith.addi %mul3A_2, %add3A_9 : i32
    %mul3A_11 = arith.constant 50 : i32
    %mul3A_12 = arith.muli %add3A_10, %mul3A_11 : i32
    %dma_wait3A = tpu.memref_slice %arg2[%mul3A_12] : memref<819200xi32, #tpu.memory_space<hbm>> -> memref<800xi32, #tpu.memory_space<hbm>>
    %dma_wait3A_13 = tpu.memref_slice %arg2[%mul3A_12] : memref<819200xi32, #tpu.memory_space<hbm>> -> memref<800xi32, #tpu.memory_space<hbm>>
    tpu.wait_dma2 semaphore(%arg18 : memref<!tpu.dma_semaphore, #tpu.memory_space<semaphore_mem>>) src(%dma_wait3A_13 : memref<800xi32, #tpu.memory_space<hbm>>) dst(%arg5 : memref<800xi32, #tpu.memory_space<vmem>>)
    %dma_start3A_14 = arith.constant 0 : i32
    %dma_start3A_15 = arith.constant 0 : i32
    %dma_start3A_16 = tpu.memref_slice %arg3[%dma_start3A_14, %dma_start3A_15] : memref<1000000x64xf32, #tpu.memory_space<hbm>> -> memref<1000000x64xf32, #tpu.memory_space<hbm>>
    tpu.enqueue_indirect_dma source(%dma_start3A_16 : memref<1000000x64xf32, #tpu.memory_space<hbm>>) target(%arg7 : memref<800x64xf32, #tpu.memory_space<vmem>>) offsets(%arg5 : memref<800xi32, #tpu.memory_space<vmem>>) semaphore(%arg12 : memref<!tpu.dma_semaphore, #tpu.memory_space<semaphore_mem>>)
    %add3A_17 = arith.constant 16 : i32
    %add3A_18 = arith.addi %mul3A_2, %add3A_17 : i32
    %mul3A_19 = arith.constant 50 : i32
    %mul3A_20 = arith.muli %add3A_18, %mul3A_19 : i32
    %dma_start3A_21 = tpu.memref_slice %arg2[%mul3A_20] : memref<819200xi32, #tpu.memory_space<hbm>> -> memref<800xi32, #tpu.memory_space<hbm>>
    %dma_start3A_22 = tpu.memref_slice %arg2[%mul3A_20] : memref<819200xi32, #tpu.memory_space<hbm>> -> memref<800xi32, #tpu.memory_space<hbm>>
    tpu.enqueue_dma source(%dma_start3A_22 : memref<800xi32, #tpu.memory_space<hbm>>) target(%arg6 : memref<800xi32, #tpu.memory_space<vmem>>) target_semaphore(%arg19 : memref<!tpu.dma_semaphore, #tpu.memory_space<semaphore_mem>>)
    %scan3A = arith.constant 0 : i32
    %scan3A_23 = arith.constant 0 : i32
    %scan3A_24 = arith.constant 16 : i32
    %scan3A_25 = arith.addi %scan3A_23, %scan3A_24 : i32
    %scan3A_26 = arith.constant 1 : i32
    scf.for %scan3A_40 = %scan3A_23 to %scan3A_25 step %scan3A_26  : i32 {
      %mul3A_41 = arith.constant 2 : i32
      %mul3A_42 = arith.muli %mul3A_41, %scan3A_40 : i32
      %add3A_43 = arith.constant 0 : i32
      %add3A_44 = arith.addi %mul3A_42, %add3A_43 : i32
      %dma_wait3A_45 = arith.constant 0 : i32
      %dma_wait3A_46 = arith.constant 0 : i32
      %dma_wait3A_47 = tpu.memref_slice %arg3[%dma_wait3A_45, %dma_wait3A_46] : memref<1000000x64xf32, #tpu.memory_space<hbm>> -> memref<1000000x64xf32, #tpu.memory_space<hbm>>
      tpu.wait_indirect_dma semaphore(%arg12 : memref<!tpu.dma_semaphore, #tpu.memory_space<semaphore_mem>>) src(%dma_wait3A_47 : memref<1000000x64xf32, #tpu.memory_space<hbm>>) dst(%arg7 : memref<800x64xf32, #tpu.memory_space<vmem>>)
      %add3A_48 = arith.constant 1 : i32
      %add3A_49 = arith.addi %add3A_44, %add3A_48 : i32
      %lt3A = arith.constant 32 : i32
      %lt3A_50 = arith.cmpi slt, %add3A_49, %lt3A : i32
      %convert_element_type3A = arith.extui %lt3A_50 : i1 to i32
      %cond3A = arith.constant 0 : i32
      %cond3A_51 = arith.cmpi ne, %convert_element_type3A, %cond3A : i32
      scf.if %cond3A_51 {
        %add3A_137 = arith.constant 1 : i32
        %add3A_138 = arith.addi %add3A_44, %add3A_137 : i32
        %mul3A_139 = arith.constant 16 : i32
        %mul3A_140 = arith.muli %add3A_138, %mul3A_139 : i32
        %add3A_141 = arith.addi %mul3A_2, %mul3A_140 : i32
        %mul3A_142 = arith.constant 50 : i32
        %mul3A_143 = arith.muli %add3A_141, %mul3A_142 : i32
        %dma_wait3A_144 = tpu.memref_slice %arg2[%mul3A_143] : memref<819200xi32, #tpu.memory_space<hbm>> -> memref<800xi32, #tpu.memory_space<hbm>>
        %dma_wait3A_145 = tpu.memref_slice %arg2[%mul3A_143] : memref<819200xi32, #tpu.memory_space<hbm>> -> memref<800xi32, #tpu.memory_space<hbm>>
        tpu.wait_dma2 semaphore(%arg19 : memref<!tpu.dma_semaphore, #tpu.memory_space<semaphore_mem>>) src(%dma_wait3A_145 : memref<800xi32, #tpu.memory_space<hbm>>) dst(%arg6 : memref<800xi32, #tpu.memory_space<vmem>>)
        %dma_start3A_146 = arith.constant 0 : i32
        %dma_start3A_147 = arith.constant 0 : i32
        %dma_start3A_148 = tpu.memref_slice %arg3[%dma_start3A_146, %dma_start3A_147] : memref<1000000x64xf32, #tpu.memory_space<hbm>> -> memref<1000000x64xf32, #tpu.memory_space<hbm>>
        tpu.enqueue_indirect_dma source(%dma_start3A_148 : memref<1000000x64xf32, #tpu.memory_space<hbm>>) target(%arg8 : memref<800x64xf32, #tpu.memory_space<vmem>>) offsets(%arg6 : memref<800xi32, #tpu.memory_space<vmem>>) semaphore(%arg14 : memref<!tpu.dma_semaphore, #tpu.memory_space<semaphore_mem>>)
      } else {
      }
      %scan3A_52 = arith.constant 0 : i32
      %scan3A_53 = arith.constant 50 : i32
      %scan3A_54 = arith.addi %scan3A_52, %scan3A_53 : i32
      %scan3A_55 = arith.constant 5 : i32
      %scan3A_56 = scf.for %scan3A_137 = %scan3A_52 to %scan3A_54 step %scan3A_55 iter_args(%scan3A_138 = %broadcast_in_dim3A_3) -> (vector<16xi32>)  : i32 {
        %mul3A_139 = arith.constant 50 : i32
        %mul3A_140 = vector.broadcast %mul3A_139 : i32 to vector<16xi32>
        %mul3A_141 = arith.muli %iota3A, %mul3A_140 : vector<16xi32>
        %add3A_142 = vector.broadcast %scan3A_137 : i32 to vector<16xi32>
        %add3A_143 = arith.addi %mul3A_141, %add3A_142 : vector<16xi32>
        %gather3A = tpu.vector_load_idx %arg5[%add3A_143] : memref<800xi32, #tpu.memory_space<vmem>>[vector<16xi32>], vector<16xi32>,
        %ne3A = arith.constant 0 : i32
        %ne3A_144 = vector.broadcast %ne3A : i32 to vector<16xi32>
        %ne3A_145 = arith.cmpi ne, %gather3A, %ne3A_144 : vector<16xi32>
        %jit3A = arith.constant 1 : i32
        %jit3A_146 = arith.constant 0 : i32
        %broadcast_in_dim3A_147 = vector.broadcast %jit3A : i32 to vector<16xi32>
        %broadcast_in_dim3A_148 = vector.broadcast %jit3A_146 : i32 to vector<16xi32>
        %select_n3A = arith.select %ne3A_145, %broadcast_in_dim3A_147, %broadcast_in_dim3A_148 : vector<16xi1>, vector<16xi32>
        %add3A_149 = arith.addi %scan3A_138, %select_n3A : vector<16xi32>
        %scan3A_150 = arith.constant 1 : i32
        %scan3A_151 = arith.addi %scan3A_137, %scan3A_150 : i32
        %mul3A_152 = arith.constant 50 : i32
        %mul3A_153 = vector.broadcast %mul3A_152 : i32 to vector<16xi32>
        %mul3A_154 = arith.muli %iota3A, %mul3A_153 : vector<16xi32>
        %add3A_155 = vector.broadcast %scan3A_151 : i32 to vector<16xi32>
        %add3A_156 = arith.addi %mul3A_154, %add3A_155 : vector<16xi32>
        %gather3A_157 = tpu.vector_load_idx %arg5[%add3A_156] : memref<800xi32, #tpu.memory_space<vmem>>[vector<16xi32>], vector<16xi32>,
        %ne3A_158 = arith.constant 0 : i32
        %ne3A_159 = vector.broadcast %ne3A_158 : i32 to vector<16xi32>
        %ne3A_160 = arith.cmpi ne, %gather3A_157, %ne3A_159 : vector<16xi32>
        %jit3A_161 = arith.constant 1 : i32
        %jit3A_162 = arith.constant 0 : i32
        %broadcast_in_dim3A_163 = vector.broadcast %jit3A_161 : i32 to vector<16xi32>
        %broadcast_in_dim3A_164 = vector.broadcast %jit3A_162 : i32 to vector<16xi32>
        %select_n3A_165 = arith.select %ne3A_160, %broadcast_in_dim3A_163, %broadcast_in_dim3A_164 : vector<16xi1>, vector<16xi32>
        %add3A_166 = arith.addi %add3A_149, %select_n3A_165 : vector<16xi32>
        %scan3A_167 = arith.constant 2 : i32
        %scan3A_168 = arith.addi %scan3A_137, %scan3A_167 : i32
        %mul3A_169 = arith.constant 50 : i32
        %mul3A_170 = vector.broadcast %mul3A_169 : i32 to vector<16xi32>
        %mul3A_171 = arith.muli %iota3A, %mul3A_170 : vector<16xi32>
        %add3A_172 = vector.broadcast %scan3A_168 : i32 to vector<16xi32>
        %add3A_173 = arith.addi %mul3A_171, %add3A_172 : vector<16xi32>
        %gather3A_174 = tpu.vector_load_idx %arg5[%add3A_173] : memref<800xi32, #tpu.memory_space<vmem>>[vector<16xi32>], vector<16xi32>,
        %ne3A_175 = arith.constant 0 : i32
        %ne3A_176 = vector.broadcast %ne3A_175 : i32 to vector<16xi32>
        %ne3A_177 = arith.cmpi ne, %gather3A_174, %ne3A_176 : vector<16xi32>
        %jit3A_178 = arith.constant 1 : i32
        %jit3A_179 = arith.constant 0 : i32
        %broadcast_in_dim3A_180 = vector.broadcast %jit3A_178 : i32 to vector<16xi32>
        %broadcast_in_dim3A_181 = vector.broadcast %jit3A_179 : i32 to vector<16xi32>
        %select_n3A_182 = arith.select %ne3A_177, %broadcast_in_dim3A_180, %broadcast_in_dim3A_181 : vector<16xi1>, vector<16xi32>
        %add3A_183 = arith.addi %add3A_166, %select_n3A_182 : vector<16xi32>
        %scan3A_184 = arith.constant 3 : i32
        %scan3A_185 = arith.addi %scan3A_137, %scan3A_184 : i32
        %mul3A_186 = arith.constant 50 : i32
        %mul3A_187 = vector.broadcast %mul3A_186 : i32 to vector<16xi32>
        %mul3A_188 = arith.muli %iota3A, %mul3A_187 : vector<16xi32>
        %add3A_189 = vector.broadcast %scan3A_185 : i32 to vector<16xi32>
        %add3A_190 = arith.addi %mul3A_188, %add3A_189 : vector<16xi32>
        %gather3A_191 = tpu.vector_load_idx %arg5[%add3A_190] : memref<800xi32, #tpu.memory_space<vmem>>[vector<16xi32>], vector<16xi32>,
        %ne3A_192 = arith.constant 0 : i32
        %ne3A_193 = vector.broadcast %ne3A_192 : i32 to vector<16xi32>
        %ne3A_194 = arith.cmpi ne, %gather3A_191, %ne3A_193 : vector<16xi32>
        %jit3A_195 = arith.constant 1 : i32
        %jit3A_196 = arith.constant 0 : i32
        %broadcast_in_dim3A_197 = vector.broadcast %jit3A_195 : i32 to vector<16xi32>
        %broadcast_in_dim3A_198 = vector.broadcast %jit3A_196 : i32 to vector<16xi32>
        %select_n3A_199 = arith.select %ne3A_194, %broadcast_in_dim3A_197, %broadcast_in_dim3A_198 : vector<16xi1>, vector<16xi32>
        %add3A_200 = arith.addi %add3A_183, %select_n3A_199 : vector<16xi32>
        %scan3A_201 = arith.constant 4 : i32
        %scan3A_202 = arith.addi %scan3A_137, %scan3A_201 : i32
        %mul3A_203 = arith.constant 50 : i32
        %mul3A_204 = vector.broadcast %mul3A_203 : i32 to vector<16xi32>
        %mul3A_205 = arith.muli %iota3A, %mul3A_204 : vector<16xi32>
        %add3A_206 = vector.broadcast %scan3A_202 : i32 to vector<16xi32>
        %add3A_207 = arith.addi %mul3A_205, %add3A_206 : vector<16xi32>
        %gather3A_208 = tpu.vector_load_idx %arg5[%add3A_207] : memref<800xi32, #tpu.memory_space<vmem>>[vector<16xi32>], vector<16xi32>,
        %ne3A_209 = arith.constant 0 : i32
        %ne3A_210 = vector.broadcast %ne3A_209 : i32 to vector<16xi32>
        %ne3A_211 = arith.cmpi ne, %gather3A_208, %ne3A_210 : vector<16xi32>
        %jit3A_212 = arith.constant 1 : i32
        %jit3A_213 = arith.constant 0 : i32
        %broadcast_in_dim3A_214 = vector.broadcast %jit3A_212 : i32 to vector<16xi32>
        %broadcast_in_dim3A_215 = vector.broadcast %jit3A_213 : i32 to vector<16xi32>
        %select_n3A_216 = arith.select %ne3A_211, %broadcast_in_dim3A_214, %broadcast_in_dim3A_215 : vector<16xi1>, vector<16xi32>
        %add3A_217 = arith.addi %add3A_200, %select_n3A_216 : vector<16xi32>
        scf.yield %add3A_217 : vector<16xi32>
      }
      %scan3A_57 = arith.constant 50 : i32
      %convert_element_type3A_58 = arith.sitofp %scan3A_56 : vector<16xi32> to vector<16xf32>
      %div3A = arith.constant 1.000000e+00 : f32
      %div3A_59 = vector.broadcast %div3A : f32 to vector<16xf32>
      %div3A_60 = arith.divf %div3A_59, %convert_element_type3A_58 : vector<16xf32>
      %swap3A = arith.constant 0 : index
      %swap3A_61 = tpu.vector_load %arg11[%swap3A] {strides = array<i32>} : memref<16xf32, #tpu.memory_space<vmem>>, vector<16xf32>,
      tpu.vector_store %arg11[%swap3A], %div3A_60 {strides = array<i32>} : memref<16xf32, #tpu.memory_space<vmem>>, vector<16xf32>,
      %add3A_62 = arith.constant 2 : i32
      %add3A_63 = arith.addi %add3A_44, %add3A_62 : i32
      %lt3A_64 = arith.constant 32 : i32
      %lt3A_65 = arith.cmpi slt, %add3A_63, %lt3A_64 : i32
      %convert_element_type3A_66 = arith.extui %lt3A_65 : i1 to i32
      %cond3A_67 = arith.constant 0 : i32
      %cond3A_68 = arith.cmpi ne, %convert_element_type3A_66, %cond3A_67 : i32
      scf.if %cond3A_68 {
        %add3A_137 = arith.constant 2 : i32
        %add3A_138 = arith.addi %add3A_44, %add3A_137 : i32
        %mul3A_139 = arith.constant 16 : i32
        %mul3A_140 = arith.muli %add3A_138, %mul3A_139 : i32
        %add3A_141 = arith.addi %mul3A_2, %mul3A_140 : i32
        %mul3A_142 = arith.constant 50 : i32
        %mul3A_143 = arith.muli %add3A_141, %mul3A_142 : i32
        %dma_start3A_144 = tpu.memref_slice %arg2[%mul3A_143] : memref<819200xi32, #tpu.memory_space<hbm>> -> memref<800xi32, #tpu.memory_space<hbm>>
        %dma_start3A_145 = tpu.memref_slice %arg2[%mul3A_143] : memref<819200xi32, #tpu.memory_space<hbm>> -> memref<800xi32, #tpu.memory_space<hbm>>
        tpu.enqueue_dma source(%dma_start3A_145 : memref<800xi32, #tpu.memory_space<hbm>>) target(%arg5 : memref<800xi32, #tpu.memory_space<vmem>>) target_semaphore(%arg18 : memref<!tpu.dma_semaphore, #tpu.memory_space<semaphore_mem>>)
      } else {
      }
      %ge3A = arith.constant 2 : i32
      %ge3A_69 = arith.cmpi sge, %add3A_44, %ge3A : i32
      %convert_element_type3A_70 = arith.extui %ge3A_69 : i1 to i32
      %cond3A_71 = arith.constant 0 : i32
      %cond3A_72 = arith.cmpi ne, %convert_element_type3A_70, %cond3A_71 : i32
      scf.if %cond3A_72 {
        %dma_wait3A_137 = arith.constant 0 : i32
        %dma_wait3A_138 = arith.constant 0 : i32
        %dma_wait3A_139 = tpu.memref_slice %arg4[%dma_wait3A_137, %dma_wait3A_138] : memref<16384x64xf32, #tpu.memory_space<hbm>> -> memref<16x64xf32, #tpu.memory_space<hbm>>
        %dma_wait3A_140 = arith.constant 0 : i32
        %dma_wait3A_141 = arith.constant 0 : i32
        %dma_wait3A_142 = tpu.memref_slice %arg4[%dma_wait3A_140, %dma_wait3A_141] : memref<16384x64xf32, #tpu.memory_space<hbm>> -> memref<16x64xf32, #tpu.memory_space<hbm>>
        tpu.wait_dma2 semaphore(%arg16 : memref<!tpu.dma_semaphore, #tpu.memory_space<semaphore_mem>>) src(%arg9 : memref<16x64xf32, #tpu.memory_space<vmem>>) dst(%dma_wait3A_142 : memref<16x64xf32, #tpu.memory_space<hbm>>)
      } else {
      }
      %mul3A_73 = arith.constant 16 : i32
      %mul3A_74 = arith.muli %add3A_44, %mul3A_73 : i32
      %add3A_75 = arith.addi %mul3A_2, %mul3A_74 : i32
      %scan3A_76 = arith.constant 0 : i32
      %scan3A_77 = arith.constant 0 : i32
      %scan3A_78 = arith.constant 16 : i32
      %scan3A_79 = arith.addi %scan3A_77, %scan3A_78 : i32
      %scan3A_80 = arith.constant 1 : i32
      scf.for %scan3A_137 = %scan3A_77 to %scan3A_79 step %scan3A_80  : i32 {
        %mul3A_138 = arith.constant 50 : i32
        %mul3A_139 = arith.muli %scan3A_137, %mul3A_138 : i32
        %broadcast_in_dim3A_140 = vector.broadcast %scan3A_137 : i32 to vector<16xi32>
        %gather3A = tpu.vector_load_idx %arg11[%broadcast_in_dim3A_140] : memref<16xf32, #tpu.memory_space<vmem>>[vector<16xi32>], vector<16xf32>,
        %broadcast_in_dim3A_141 = arith.constant 0.000000e+00 : f32
        %broadcast_in_dim3A_142 = vector.broadcast %broadcast_in_dim3A_141 : f32 to vector<16xf32>
        %broadcast_in_dim3A_143 = arith.constant 0.000000e+00 : f32
        %broadcast_in_dim3A_144 = vector.broadcast %broadcast_in_dim3A_143 : f32 to vector<16xf32>
        %broadcast_in_dim3A_145 = arith.constant 0.000000e+00 : f32
        %broadcast_in_dim3A_146 = vector.broadcast %broadcast_in_dim3A_145 : f32 to vector<16xf32>
        %broadcast_in_dim3A_147 = arith.constant 0.000000e+00 : f32
        %broadcast_in_dim3A_148 = vector.broadcast %broadcast_in_dim3A_147 : f32 to vector<16xf32>
        %scan3A_149 = arith.constant 0 : i32
        %scan3A_150 = arith.constant 50 : i32
        %scan3A_151 = arith.addi %scan3A_149, %scan3A_150 : i32
        %scan3A_152 = arith.constant 10 : i32
        %scan3A_153:4 = scf.for %scan3A_171 = %scan3A_149 to %scan3A_151 step %scan3A_152 iter_args(%scan3A_172 = %broadcast_in_dim3A_142, %scan3A_173 = %broadcast_in_dim3A_144, %scan3A_174 = %broadcast_in_dim3A_146, %scan3A_175 = %broadcast_in_dim3A_148) -> (vector<16xf32>, vector<16xf32>, vector<16xf32>, vector<16xf32>)  : i32 {
          %add3A_176 = arith.addi %mul3A_139, %scan3A_171 : i32
          %get3A = arith.index_cast %add3A_176 : i32 to index
          %get3A_177 = arith.constant 0 : index
          %get3A_178 = tpu.vector_load %arg7[%get3A, %get3A_177] {strides = array<i32>} : memref<800x64xf32, #tpu.memory_space<vmem>>, vector<16xf32>,
          %add3A_179 = arith.addf %scan3A_172, %get3A_178 : vector<16xf32>
          %get3A_180 = arith.index_cast %add3A_176 : i32 to index
          %get3A_181 = arith.constant 16 : index
          %get3A_182 = tpu.vector_load %arg7[%get3A_180, %get3A_181] {strides = array<i32>} : memref<800x64xf32, #tpu.memory_space<vmem>>, vector<16xf32>,
          %add3A_183 = arith.addf %scan3A_173, %get3A_182 : vector<16xf32>
          %get3A_184 = arith.index_cast %add3A_176 : i32 to index
          %get3A_185 = arith.constant 32 : index
          %get3A_186 = tpu.vector_load %arg7[%get3A_184, %get3A_185] {strides = array<i32>} : memref<800x64xf32, #tpu.memory_space<vmem>>, vector<16xf32>,
          %add3A_187 = arith.addf %scan3A_174, %get3A_186 : vector<16xf32>
          %get3A_188 = arith.index_cast %add3A_176 : i32 to index
          %get3A_189 = arith.constant 48 : index
          %get3A_190 = tpu.vector_load %arg7[%get3A_188, %get3A_189] {strides = array<i32>} : memref<800x64xf32, #tpu.memory_space<vmem>>, vector<16xf32>,
          %add3A_191 = arith.addf %scan3A_175, %get3A_190 : vector<16xf32>
          %scan3A_192 = arith.constant 1 : i32
          %scan3A_193 = arith.addi %scan3A_171, %scan3A_192 : i32
          %add3A_194 = arith.addi %mul3A_139, %scan3A_193 : i32
          %get3A_195 = arith.index_cast %add3A_194 : i32 to index
          %get3A_196 = arith.constant 0 : index
          %get3A_197 = tpu.vector_load %arg7[%get3A_195, %get3A_196] {strides = array<i32>} : memref<800x64xf32, #tpu.memory_space<vmem>>, vector<16xf32>,
          %add3A_198 = arith.addf %add3A_179, %get3A_197 : vector<16xf32>
          %get3A_199 = arith.index_cast %add3A_194 : i32 to index
          %get3A_200 = arith.constant 16 : index
          %get3A_201 = tpu.vector_load %arg7[%get3A_199, %get3A_200] {strides = array<i32>} : memref<800x64xf32, #tpu.memory_space<vmem>>, vector<16xf32>,
          %add3A_202 = arith.addf %add3A_183, %get3A_201 : vector<16xf32>
          %get3A_203 = arith.index_cast %add3A_194 : i32 to index
          %get3A_204 = arith.constant 32 : index
          %get3A_205 = tpu.vector_load %arg7[%get3A_203, %get3A_204] {strides = array<i32>} : memref<800x64xf32, #tpu.memory_space<vmem>>, vector<16xf32>,
          %add3A_206 = arith.addf %add3A_187, %get3A_205 : vector<16xf32>
          %get3A_207 = arith.index_cast %add3A_194 : i32 to index
          %get3A_208 = arith.constant 48 : index
          %get3A_209 = tpu.vector_load %arg7[%get3A_207, %get3A_208] {strides = array<i32>} : memref<800x64xf32, #tpu.memory_space<vmem>>, vector<16xf32>,
          %add3A_210 = arith.addf %add3A_191, %get3A_209 : vector<16xf32>
          %scan3A_211 = arith.constant 2 : i32
          %scan3A_212 = arith.addi %scan3A_171, %scan3A_211 : i32
          %add3A_213 = arith.addi %mul3A_139, %scan3A_212 : i32
          %get3A_214 = arith.index_cast %add3A_213 : i32 to index
          %get3A_215 = arith.constant 0 : index
          %get3A_216 = tpu.vector_load %arg7[%get3A_214, %get3A_215] {strides = array<i32>} : memref<800x64xf32, #tpu.memory_space<vmem>>, vector<16xf32>,
          %add3A_217 = arith.addf %add3A_198, %get3A_216 : vector<16xf32>
          %get3A_218 = arith.index_cast %add3A_213 : i32 to index
          %get3A_219 = arith.constant 16 : index
          %get3A_220 = tpu.vector_load %arg7[%get3A_218, %get3A_219] {strides = array<i32>} : memref<800x64xf32, #tpu.memory_space<vmem>>, vector<16xf32>,
          %add3A_221 = arith.addf %add3A_202, %get3A_220 : vector<16xf32>
          %get3A_222 = arith.index_cast %add3A_213 : i32 to index
          %get3A_223 = arith.constant 32 : index
          %get3A_224 = tpu.vector_load %arg7[%get3A_222, %get3A_223] {strides = array<i32>} : memref<800x64xf32, #tpu.memory_space<vmem>>, vector<16xf32>,
          %add3A_225 = arith.addf %add3A_206, %get3A_224 : vector<16xf32>
          %get3A_226 = arith.index_cast %add3A_213 : i32 to index
          %get3A_227 = arith.constant 48 : index
          %get3A_228 = tpu.vector_load %arg7[%get3A_226, %get3A_227] {strides = array<i32>} : memref<800x64xf32, #tpu.memory_space<vmem>>, vector<16xf32>,
          %add3A_229 = arith.addf %add3A_210, %get3A_228 : vector<16xf32>
          %scan3A_230 = arith.constant 3 : i32
          %scan3A_231 = arith.addi %scan3A_171, %scan3A_230 : i32
          %add3A_232 = arith.addi %mul3A_139, %scan3A_231 : i32
          %get3A_233 = arith.index_cast %add3A_232 : i32 to index
          %get3A_234 = arith.constant 0 : index
          %get3A_235 = tpu.vector_load %arg7[%get3A_233, %get3A_234] {strides = array<i32>} : memref<800x64xf32, #tpu.memory_space<vmem>>, vector<16xf32>,
          %add3A_236 = arith.addf %add3A_217, %get3A_235 : vector<16xf32>
          %get3A_237 = arith.index_cast %add3A_232 : i32 to index
          %get3A_238 = arith.constant 16 : index
          %get3A_239 = tpu.vector_load %arg7[%get3A_237, %get3A_238] {strides = array<i32>} : memref<800x64xf32, #tpu.memory_space<vmem>>, vector<16xf32>,
          %add3A_240 = arith.addf %add3A_221, %get3A_239 : vector<16xf32>
          %get3A_241 = arith.index_cast %add3A_232 : i32 to index
          %get3A_242 = arith.constant 32 : index
          %get3A_243 = tpu.vector_load %arg7[%get3A_241, %get3A_242] {strides = array<i32>} : memref<800x64xf32, #tpu.memory_space<vmem>>, vector<16xf32>,
          %add3A_244 = arith.addf %add3A_225, %get3A_243 : vector<16xf32>
          %get3A_245 = arith.index_cast %add3A_232 : i32 to index
          %get3A_246 = arith.constant 48 : index
          %get3A_247 = tpu.vector_load %arg7[%get3A_245, %get3A_246] {strides = array<i32>} : memref<800x64xf32, #tpu.memory_space<vmem>>, vector<16xf32>,
          %add3A_248 = arith.addf %add3A_229, %get3A_247 : vector<16xf32>
          %scan3A_249 = arith.constant 4 : i32
          %scan3A_250 = arith.addi %scan3A_171, %scan3A_249 : i32
          %add3A_251 = arith.addi %mul3A_139, %scan3A_250 : i32
          %get3A_252 = arith.index_cast %add3A_251 : i32 to index
          %get3A_253 = arith.constant 0 : index
          %get3A_254 = tpu.vector_load %arg7[%get3A_252, %get3A_253] {strides = array<i32>} : memref<800x64xf32, #tpu.memory_space<vmem>>, vector<16xf32>,
          %add3A_255 = arith.addf %add3A_236, %get3A_254 : vector<16xf32>
          %get3A_256 = arith.index_cast %add3A_251 : i32 to index
          %get3A_257 = arith.constant 16 : index
          %get3A_258 = tpu.vector_load %arg7[%get3A_256, %get3A_257] {strides = array<i32>} : memref<800x64xf32, #tpu.memory_space<vmem>>, vector<16xf32>,
          %add3A_259 = arith.addf %add3A_240, %get3A_258 : vector<16xf32>
          %get3A_260 = arith.index_cast %add3A_251 : i32 to index
          %get3A_261 = arith.constant 32 : index
          %get3A_262 = tpu.vector_load %arg7[%get3A_260, %get3A_261] {strides = array<i32>} : memref<800x64xf32, #tpu.memory_space<vmem>>, vector<16xf32>,
          %add3A_263 = arith.addf %add3A_244, %get3A_262 : vector<16xf32>
          %get3A_264 = arith.index_cast %add3A_251 : i32 to index
          %get3A_265 = arith.constant 48 : index
          %get3A_266 = tpu.vector_load %arg7[%get3A_264, %get3A_265] {strides = array<i32>} : memref<800x64xf32, #tpu.memory_space<vmem>>, vector<16xf32>,
          %add3A_267 = arith.addf %add3A_248, %get3A_266 : vector<16xf32>
          %scan3A_268 = arith.constant 5 : i32
          %scan3A_269 = arith.addi %scan3A_171, %scan3A_268 : i32
          %add3A_270 = arith.addi %mul3A_139, %scan3A_269 : i32
          %get3A_271 = arith.index_cast %add3A_270 : i32 to index
          %get3A_272 = arith.constant 0 : index
          %get3A_273 = tpu.vector_load %arg7[%get3A_271, %get3A_272] {strides = array<i32>} : memref<800x64xf32, #tpu.memory_space<vmem>>, vector<16xf32>,
          %add3A_274 = arith.addf %add3A_255, %get3A_273 : vector<16xf32>
          %get3A_275 = arith.index_cast %add3A_270 : i32 to index
          %get3A_276 = arith.constant 16 : index
          %get3A_277 = tpu.vector_load %arg7[%get3A_275, %get3A_276] {strides = array<i32>} : memref<800x64xf32, #tpu.memory_space<vmem>>, vector<16xf32>,
          %add3A_278 = arith.addf %add3A_259, %get3A_277 : vector<16xf32>
          %get3A_279 = arith.index_cast %add3A_270 : i32 to index
          %get3A_280 = arith.constant 32 : index
          %get3A_281 = tpu.vector_load %arg7[%get3A_279, %get3A_280] {strides = array<i32>} : memref<800x64xf32, #tpu.memory_space<vmem>>, vector<16xf32>,
          %add3A_282 = arith.addf %add3A_263, %get3A_281 : vector<16xf32>
          %get3A_283 = arith.index_cast %add3A_270 : i32 to index
          %get3A_284 = arith.constant 48 : index
          %get3A_285 = tpu.vector_load %arg7[%get3A_283, %get3A_284] {strides = array<i32>} : memref<800x64xf32, #tpu.memory_space<vmem>>, vector<16xf32>,
          %add3A_286 = arith.addf %add3A_267, %get3A_285 : vector<16xf32>
          %scan3A_287 = arith.constant 6 : i32
          %scan3A_288 = arith.addi %scan3A_171, %scan3A_287 : i32
          %add3A_289 = arith.addi %mul3A_139, %scan3A_288 : i32
          %get3A_290 = arith.index_cast %add3A_289 : i32 to index
          %get3A_291 = arith.constant 0 : index
          %get3A_292 = tpu.vector_load %arg7[%get3A_290, %get3A_291] {strides = array<i32>} : memref<800x64xf32, #tpu.memory_space<vmem>>, vector<16xf32>,
          %add3A_293 = arith.addf %add3A_274, %get3A_292 : vector<16xf32>
          %get3A_294 = arith.index_cast %add3A_289 : i32 to index
          %get3A_295 = arith.constant 16 : index
          %get3A_296 = tpu.vector_load %arg7[%get3A_294, %get3A_295] {strides = array<i32>} : memref<800x64xf32, #tpu.memory_space<vmem>>, vector<16xf32>,
          %add3A_297 = arith.addf %add3A_278, %get3A_296 : vector<16xf32>
          %get3A_298 = arith.index_cast %add3A_289 : i32 to index
          %get3A_299 = arith.constant 32 : index
          %get3A_300 = tpu.vector_load %arg7[%get3A_298, %get3A_299] {strides = array<i32>} : memref<800x64xf32, #tpu.memory_space<vmem>>, vector<16xf32>,
          %add3A_301 = arith.addf %add3A_282, %get3A_300 : vector<16xf32>
          %get3A_302 = arith.index_cast %add3A_289 : i32 to index
          %get3A_303 = arith.constant 48 : index
          %get3A_304 = tpu.vector_load %arg7[%get3A_302, %get3A_303] {strides = array<i32>} : memref<800x64xf32, #tpu.memory_space<vmem>>, vector<16xf32>,
          %add3A_305 = arith.addf %add3A_286, %get3A_304 : vector<16xf32>
          %scan3A_306 = arith.constant 7 : i32
          %scan3A_307 = arith.addi %scan3A_171, %scan3A_306 : i32
          %add3A_308 = arith.addi %mul3A_139, %scan3A_307 : i32
          %get3A_309 = arith.index_cast %add3A_308 : i32 to index
          %get3A_310 = arith.constant 0 : index
          %get3A_311 = tpu.vector_load %arg7[%get3A_309, %get3A_310] {strides = array<i32>} : memref<800x64xf32, #tpu.memory_space<vmem>>, vector<16xf32>,
          %add3A_312 = arith.addf %add3A_293, %get3A_311 : vector<16xf32>
          %get3A_313 = arith.index_cast %add3A_308 : i32 to index
          %get3A_314 = arith.constant 16 : index
          %get3A_315 = tpu.vector_load %arg7[%get3A_313, %get3A_314] {strides = array<i32>} : memref<800x64xf32, #tpu.memory_space<vmem>>, vector<16xf32>,
          %add3A_316 = arith.addf %add3A_297, %get3A_315 : vector<16xf32>
          %get3A_317 = arith.index_cast %add3A_308 : i32 to index
          %get3A_318 = arith.constant 32 : index
          %get3A_319 = tpu.vector_load %arg7[%get3A_317, %get3A_318] {strides = array<i32>} : memref<800x64xf32, #tpu.memory_space<vmem>>, vector<16xf32>,
          %add3A_320 = arith.addf %add3A_301, %get3A_319 : vector<16xf32>
          %get3A_321 = arith.index_cast %add3A_308 : i32 to index
          %get3A_322 = arith.constant 48 : index
          %get3A_323 = tpu.vector_load %arg7[%get3A_321, %get3A_322] {strides = array<i32>} : memref<800x64xf32, #tpu.memory_space<vmem>>, vector<16xf32>,
          %add3A_324 = arith.addf %add3A_305, %get3A_323 : vector<16xf32>
          %scan3A_325 = arith.constant 8 : i32
          %scan3A_326 = arith.addi %scan3A_171, %scan3A_325 : i32
          %add3A_327 = arith.addi %mul3A_139, %scan3A_326 : i32
          %get3A_328 = arith.index_cast %add3A_327 : i32 to index
          %get3A_329 = arith.constant 0 : index
          %get3A_330 = tpu.vector_load %arg7[%get3A_328, %get3A_329] {strides = array<i32>} : memref<800x64xf32, #tpu.memory_space<vmem>>, vector<16xf32>,
          %add3A_331 = arith.addf %add3A_312, %get3A_330 : vector<16xf32>
          %get3A_332 = arith.index_cast %add3A_327 : i32 to index
          %get3A_333 = arith.constant 16 : index
          %get3A_334 = tpu.vector_load %arg7[%get3A_332, %get3A_333] {strides = array<i32>} : memref<800x64xf32, #tpu.memory_space<vmem>>, vector<16xf32>,
          %add3A_335 = arith.addf %add3A_316, %get3A_334 : vector<16xf32>
          %get3A_336 = arith.index_cast %add3A_327 : i32 to index
          %get3A_337 = arith.constant 32 : index
          %get3A_338 = tpu.vector_load %arg7[%get3A_336, %get3A_337] {strides = array<i32>} : memref<800x64xf32, #tpu.memory_space<vmem>>, vector<16xf32>,
          %add3A_339 = arith.addf %add3A_320, %get3A_338 : vector<16xf32>
          %get3A_340 = arith.index_cast %add3A_327 : i32 to index
          %get3A_341 = arith.constant 48 : index
          %get3A_342 = tpu.vector_load %arg7[%get3A_340, %get3A_341] {strides = array<i32>} : memref<800x64xf32, #tpu.memory_space<vmem>>, vector<16xf32>,
          %add3A_343 = arith.addf %add3A_324, %get3A_342 : vector<16xf32>
          %scan3A_344 = arith.constant 9 : i32
          %scan3A_345 = arith.addi %scan3A_171, %scan3A_344 : i32
          %add3A_346 = arith.addi %mul3A_139, %scan3A_345 : i32
          %get3A_347 = arith.index_cast %add3A_346 : i32 to index
          %get3A_348 = arith.constant 0 : index
          %get3A_349 = tpu.vector_load %arg7[%get3A_347, %get3A_348] {strides = array<i32>} : memref<800x64xf32, #tpu.memory_space<vmem>>, vector<16xf32>,
          %add3A_350 = arith.addf %add3A_331, %get3A_349 : vector<16xf32>
          %get3A_351 = arith.index_cast %add3A_346 : i32 to index
          %get3A_352 = arith.constant 16 : index
          %get3A_353 = tpu.vector_load %arg7[%get3A_351, %get3A_352] {strides = array<i32>} : memref<800x64xf32, #tpu.memory_space<vmem>>, vector<16xf32>,
          %add3A_354 = arith.addf %add3A_335, %get3A_353 : vector<16xf32>
          %get3A_355 = arith.index_cast %add3A_346 : i32 to index
          %get3A_356 = arith.constant 32 : index
          %get3A_357 = tpu.vector_load %arg7[%get3A_355, %get3A_356] {strides = array<i32>} : memref<800x64xf32, #tpu.memory_space<vmem>>, vector<16xf32>,
          %add3A_358 = arith.addf %add3A_339, %get3A_357 : vector<16xf32>
          %get3A_359 = arith.index_cast %add3A_346 : i32 to index
          %get3A_360 = arith.constant 48 : index
          %get3A_361 = tpu.vector_load %arg7[%get3A_359, %get3A_360] {strides = array<i32>} : memref<800x64xf32, #tpu.memory_space<vmem>>, vector<16xf32>,
          %add3A_362 = arith.addf %add3A_343, %get3A_361 : vector<16xf32>
          scf.yield %add3A_350, %add3A_354, %add3A_358, %add3A_362 : vector<16xf32>, vector<16xf32>, vector<16xf32>, vector<16xf32>
        }
        %scan3A_154 = arith.constant 50 : i32
        %mul3A_155 = arith.mulf %scan3A_153#0, %gather3A : vector<16xf32>
        %swap3A_156 = arith.index_cast %scan3A_137 : i32 to index
        %swap3A_157 = arith.constant 0 : index
        %swap3A_158 = tpu.vector_load %arg9[%swap3A_156, %swap3A_157] {strides = array<i32>} : memref<16x64xf32, #tpu.memory_space<vmem>>, vector<16xf32>,
        tpu.vector_store %arg9[%swap3A_156, %swap3A_157], %mul3A_155 {strides = array<i32>} : memref<16x64xf32, #tpu.memory_space<vmem>>, vector<16xf32>,
        %mul3A_159 = arith.mulf %scan3A_153#1, %gather3A : vector<16xf32>
        %swap3A_160 = arith.index_cast %scan3A_137 : i32 to index
        %swap3A_161 = arith.constant 16 : index
        %swap3A_162 = tpu.vector_load %arg9[%swap3A_160, %swap3A_161] {strides = array<i32>} : memref<16x64xf32, #tpu.memory_space<vmem>>, vector<16xf32>,
        tpu.vector_store %arg9[%swap3A_160, %swap3A_161], %mul3A_159 {strides = array<i32>} : memref<16x64xf32, #tpu.memory_space<vmem>>, vector<16xf32>,
        %mul3A_163 = arith.mulf %scan3A_153#2, %gather3A : vector<16xf32>
        %swap3A_164 = arith.index_cast %scan3A_137 : i32 to index
        %swap3A_165 = arith.constant 32 : index
        %swap3A_166 = tpu.vector_load %arg9[%swap3A_164, %swap3A_165] {strides = array<i32>} : memref<16x64xf32, #tpu.memory_space<vmem>>, vector<16xf32>,
        tpu.vector_store %arg9[%swap3A_164, %swap3A_165], %mul3A_163 {strides = array<i32>} : memref<16x64xf32, #tpu.memory_space<vmem>>, vector<16xf32>,
        %mul3A_167 = arith.mulf %scan3A_153#3, %gather3A : vector<16xf32>
        %swap3A_168 = arith.index_cast %scan3A_137 : i32 to index
        %swap3A_169 = arith.constant 48 : index
        %swap3A_170 = tpu.vector_load %arg9[%swap3A_168, %swap3A_169] {strides = array<i32>} : memref<16x64xf32, #tpu.memory_space<vmem>>, vector<16xf32>,
        tpu.vector_store %arg9[%swap3A_168, %swap3A_169], %mul3A_167 {strides = array<i32>} : memref<16x64xf32, #tpu.memory_space<vmem>>, vector<16xf32>,
      }
      %scan3A_81 = arith.constant 16 : i32
      %dma_start3A_82 = arith.constant 0 : i32
      %dma_start3A_83 = tpu.memref_slice %arg4[%add3A_75, %dma_start3A_82] : memref<16384x64xf32, #tpu.memory_space<hbm>> -> memref<16x64xf32, #tpu.memory_space<hbm>>
      %dma_start3A_84 = arith.constant 0 : i32
      %dma_start3A_85 = tpu.memref_slice %arg4[%add3A_75, %dma_start3A_84] : memref<16384x64xf32, #tpu.memory_space<hbm>> -> memref<16x64xf32, #tpu.memory_space<hbm>>
      tpu.enqueue_dma source(%arg9 : memref<16x64xf32, #tpu.memory_space<vmem>>) target(%dma_start3A_85 : memref<16x64xf32, #tpu.memory_space<hbm>>) target_semaphore(%arg16 : memref<!tpu.dma_semaphore, #tpu.memory_space<semaphore_mem>>)
      %mul3A_86 = arith.constant 2 : i32
      %mul3A_87 = arith.muli %mul3A_86, %scan3A_40 : i32
      %add3A_88 = arith.constant 1 : i32
      %add3A_89 = arith.addi %mul3A_87, %add3A_88 : i32
      %dma_wait3A_90 = arith.constant 0 : i32
      %dma_wait3A_91 = arith.constant 0 : i32
      %dma_wait3A_92 = tpu.memref_slice %arg3[%dma_wait3A_90, %dma_wait3A_91] : memref<1000000x64xf32, #tpu.memory_space<hbm>> -> memref<1000000x64xf32, #tpu.memory_space<hbm>>
      tpu.wait_indirect_dma semaphore(%arg14 : memref<!tpu.dma_semaphore, #tpu.memory_space<semaphore_mem>>) src(%dma_wait3A_92 : memref<1000000x64xf32, #tpu.memory_space<hbm>>) dst(%arg8 : memref<800x64xf32, #tpu.memory_space<vmem>>)
      %add3A_93 = arith.constant 1 : i32
      %add3A_94 = arith.addi %add3A_89, %add3A_93 : i32
      %lt3A_95 = arith.constant 32 : i32
      %lt3A_96 = arith.cmpi slt, %add3A_94, %lt3A_95 : i32
      %convert_element_type3A_97 = arith.extui %lt3A_96 : i1 to i32
      %cond3A_98 = arith.constant 0 : i32
      %cond3A_99 = arith.cmpi ne, %convert_element_type3A_97, %cond3A_98 : i32
      scf.if %cond3A_99 {
        %add3A_137 = arith.constant 1 : i32
        %add3A_138 = arith.addi %add3A_89, %add3A_137 : i32
        %mul3A_139 = arith.constant 16 : i32
        %mul3A_140 = arith.muli %add3A_138, %mul3A_139 : i32
        %add3A_141 = arith.addi %mul3A_2, %mul3A_140 : i32
        %mul3A_142 = arith.constant 50 : i32
        %mul3A_143 = arith.muli %add3A_141, %mul3A_142 : i32
        %dma_wait3A_144 = tpu.memref_slice %arg2[%mul3A_143] : memref<819200xi32, #tpu.memory_space<hbm>> -> memref<800xi32, #tpu.memory_space<hbm>>
        %dma_wait3A_145 = tpu.memref_slice %arg2[%mul3A_143] : memref<819200xi32, #tpu.memory_space<hbm>> -> memref<800xi32, #tpu.memory_space<hbm>>
        tpu.wait_dma2 semaphore(%arg18 : memref<!tpu.dma_semaphore, #tpu.memory_space<semaphore_mem>>) src(%dma_wait3A_145 : memref<800xi32, #tpu.memory_space<hbm>>) dst(%arg5 : memref<800xi32, #tpu.memory_space<vmem>>)
        %dma_start3A_146 = arith.constant 0 : i32
        %dma_start3A_147 = arith.constant 0 : i32
        %dma_start3A_148 = tpu.memref_slice %arg3[%dma_start3A_146, %dma_start3A_147] : memref<1000000x64xf32, #tpu.memory_space<hbm>> -> memref<1000000x64xf32, #tpu.memory_space<hbm>>
        tpu.enqueue_indirect_dma source(%dma_start3A_148 : memref<1000000x64xf32, #tpu.memory_space<hbm>>) target(%arg7 : memref<800x64xf32, #tpu.memory_space<vmem>>) offsets(%arg5 : memref<800xi32, #tpu.memory_space<vmem>>) semaphore(%arg12 : memref<!tpu.dma_semaphore, #tpu.memory_space<semaphore_mem>>)
      } else {
      }
      %scan3A_100 = arith.constant 0 : i32
      %scan3A_101 = arith.constant 50 : i32
      %scan3A_102 = arith.addi %scan3A_100, %scan3A_101 : i32
      %scan3A_103 = arith.constant 5 : i32
      %scan3A_104 = scf.for %scan3A_137 = %scan3A_100 to %scan3A_102 step %scan3A_103 iter_args(%scan3A_138 = %broadcast_in_dim3A_3) -> (vector<16xi32>)  : i32 {
        %mul3A_139 = arith.constant 50 : i32
        %mul3A_140 = vector.broadcast %mul3A_139 : i32 to vector<16xi32>
        %mul3A_141 = arith.muli %iota3A, %mul3A_140 : vector<16xi32>
        %add3A_142 = vector.broadcast %scan3A_137 : i32 to vector<16xi32>
        %add3A_143 = arith.addi %mul3A_141, %add3A_142 : vector<16xi32>
        %gather3A = tpu.vector_load_idx %arg6[%add3A_143] : memref<800xi32, #tpu.memory_space<vmem>>[vector<16xi32>], vector<16xi32>,
        %ne3A = arith.constant 0 : i32
        %ne3A_144 = vector.broadcast %ne3A : i32 to vector<16xi32>
        %ne3A_145 = arith.cmpi ne, %gather3A, %ne3A_144 : vector<16xi32>
        %jit3A = arith.constant 1 : i32
        %jit3A_146 = arith.constant 0 : i32
        %broadcast_in_dim3A_147 = vector.broadcast %jit3A : i32 to vector<16xi32>
        %broadcast_in_dim3A_148 = vector.broadcast %jit3A_146 : i32 to vector<16xi32>
        %select_n3A = arith.select %ne3A_145, %broadcast_in_dim3A_147, %broadcast_in_dim3A_148 : vector<16xi1>, vector<16xi32>
        %add3A_149 = arith.addi %scan3A_138, %select_n3A : vector<16xi32>
        %scan3A_150 = arith.constant 1 : i32
        %scan3A_151 = arith.addi %scan3A_137, %scan3A_150 : i32
        %mul3A_152 = arith.constant 50 : i32
        %mul3A_153 = vector.broadcast %mul3A_152 : i32 to vector<16xi32>
        %mul3A_154 = arith.muli %iota3A, %mul3A_153 : vector<16xi32>
        %add3A_155 = vector.broadcast %scan3A_151 : i32 to vector<16xi32>
        %add3A_156 = arith.addi %mul3A_154, %add3A_155 : vector<16xi32>
        %gather3A_157 = tpu.vector_load_idx %arg6[%add3A_156] : memref<800xi32, #tpu.memory_space<vmem>>[vector<16xi32>], vector<16xi32>,
        %ne3A_158 = arith.constant 0 : i32
        %ne3A_159 = vector.broadcast %ne3A_158 : i32 to vector<16xi32>
        %ne3A_160 = arith.cmpi ne, %gather3A_157, %ne3A_159 : vector<16xi32>
        %jit3A_161 = arith.constant 1 : i32
        %jit3A_162 = arith.constant 0 : i32
        %broadcast_in_dim3A_163 = vector.broadcast %jit3A_161 : i32 to vector<16xi32>
        %broadcast_in_dim3A_164 = vector.broadcast %jit3A_162 : i32 to vector<16xi32>
        %select_n3A_165 = arith.select %ne3A_160, %broadcast_in_dim3A_163, %broadcast_in_dim3A_164 : vector<16xi1>, vector<16xi32>
        %add3A_166 = arith.addi %add3A_149, %select_n3A_165 : vector<16xi32>
        %scan3A_167 = arith.constant 2 : i32
        %scan3A_168 = arith.addi %scan3A_137, %scan3A_167 : i32
        %mul3A_169 = arith.constant 50 : i32
        %mul3A_170 = vector.broadcast %mul3A_169 : i32 to vector<16xi32>
        %mul3A_171 = arith.muli %iota3A, %mul3A_170 : vector<16xi32>
        %add3A_172 = vector.broadcast %scan3A_168 : i32 to vector<16xi32>
        %add3A_173 = arith.addi %mul3A_171, %add3A_172 : vector<16xi32>
        %gather3A_174 = tpu.vector_load_idx %arg6[%add3A_173] : memref<800xi32, #tpu.memory_space<vmem>>[vector<16xi32>], vector<16xi32>,
        %ne3A_175 = arith.constant 0 : i32
        %ne3A_176 = vector.broadcast %ne3A_175 : i32 to vector<16xi32>
        %ne3A_177 = arith.cmpi ne, %gather3A_174, %ne3A_176 : vector<16xi32>
        %jit3A_178 = arith.constant 1 : i32
        %jit3A_179 = arith.constant 0 : i32
        %broadcast_in_dim3A_180 = vector.broadcast %jit3A_178 : i32 to vector<16xi32>
        %broadcast_in_dim3A_181 = vector.broadcast %jit3A_179 : i32 to vector<16xi32>
        %select_n3A_182 = arith.select %ne3A_177, %broadcast_in_dim3A_180, %broadcast_in_dim3A_181 : vector<16xi1>, vector<16xi32>
        %add3A_183 = arith.addi %add3A_166, %select_n3A_182 : vector<16xi32>
        %scan3A_184 = arith.constant 3 : i32
        %scan3A_185 = arith.addi %scan3A_137, %scan3A_184 : i32
        %mul3A_186 = arith.constant 50 : i32
        %mul3A_187 = vector.broadcast %mul3A_186 : i32 to vector<16xi32>
        %mul3A_188 = arith.muli %iota3A, %mul3A_187 : vector<16xi32>
        %add3A_189 = vector.broadcast %scan3A_185 : i32 to vector<16xi32>
        %add3A_190 = arith.addi %mul3A_188, %add3A_189 : vector<16xi32>
        %gather3A_191 = tpu.vector_load_idx %arg6[%add3A_190] : memref<800xi32, #tpu.memory_space<vmem>>[vector<16xi32>], vector<16xi32>,
        %ne3A_192 = arith.constant 0 : i32
        %ne3A_193 = vector.broadcast %ne3A_192 : i32 to vector<16xi32>
        %ne3A_194 = arith.cmpi ne, %gather3A_191, %ne3A_193 : vector<16xi32>
        %jit3A_195 = arith.constant 1 : i32
        %jit3A_196 = arith.constant 0 : i32
        %broadcast_in_dim3A_197 = vector.broadcast %jit3A_195 : i32 to vector<16xi32>
        %broadcast_in_dim3A_198 = vector.broadcast %jit3A_196 : i32 to vector<16xi32>
        %select_n3A_199 = arith.select %ne3A_194, %broadcast_in_dim3A_197, %broadcast_in_dim3A_198 : vector<16xi1>, vector<16xi32>
        %add3A_200 = arith.addi %add3A_183, %select_n3A_199 : vector<16xi32>
        %scan3A_201 = arith.constant 4 : i32
        %scan3A_202 = arith.addi %scan3A_137, %scan3A_201 : i32
        %mul3A_203 = arith.constant 50 : i32
        %mul3A_204 = vector.broadcast %mul3A_203 : i32 to vector<16xi32>
        %mul3A_205 = arith.muli %iota3A, %mul3A_204 : vector<16xi32>
        %add3A_206 = vector.broadcast %scan3A_202 : i32 to vector<16xi32>
        %add3A_207 = arith.addi %mul3A_205, %add3A_206 : vector<16xi32>
        %gather3A_208 = tpu.vector_load_idx %arg6[%add3A_207] : memref<800xi32, #tpu.memory_space<vmem>>[vector<16xi32>], vector<16xi32>,
        %ne3A_209 = arith.constant 0 : i32
        %ne3A_210 = vector.broadcast %ne3A_209 : i32 to vector<16xi32>
        %ne3A_211 = arith.cmpi ne, %gather3A_208, %ne3A_210 : vector<16xi32>
        %jit3A_212 = arith.constant 1 : i32
        %jit3A_213 = arith.constant 0 : i32
        %broadcast_in_dim3A_214 = vector.broadcast %jit3A_212 : i32 to vector<16xi32>
        %broadcast_in_dim3A_215 = vector.broadcast %jit3A_213 : i32 to vector<16xi32>
        %select_n3A_216 = arith.select %ne3A_211, %broadcast_in_dim3A_214, %broadcast_in_dim3A_215 : vector<16xi1>, vector<16xi32>
        %add3A_217 = arith.addi %add3A_200, %select_n3A_216 : vector<16xi32>
        scf.yield %add3A_217 : vector<16xi32>
      }
      %scan3A_105 = arith.constant 50 : i32
      %convert_element_type3A_106 = arith.sitofp %scan3A_104 : vector<16xi32> to vector<16xf32>
      %div3A_107 = arith.constant 1.000000e+00 : f32
      %div3A_108 = vector.broadcast %div3A_107 : f32 to vector<16xf32>
      %div3A_109 = arith.divf %div3A_108, %convert_element_type3A_106 : vector<16xf32>
      %swap3A_110 = arith.constant 0 : index
      %swap3A_111 = tpu.vector_load %arg11[%swap3A_110] {strides = array<i32>} : memref<16xf32, #tpu.memory_space<vmem>>, vector<16xf32>,
      tpu.vector_store %arg11[%swap3A_110], %div3A_109 {strides = array<i32>} : memref<16xf32, #tpu.memory_space<vmem>>, vector<16xf32>,
      %add3A_112 = arith.constant 2 : i32
      %add3A_113 = arith.addi %add3A_89, %add3A_112 : i32
      %lt3A_114 = arith.constant 32 : i32
      %lt3A_115 = arith.cmpi slt, %add3A_113, %lt3A_114 : i32
      %convert_element_type3A_116 = arith.extui %lt3A_115 : i1 to i32
      %cond3A_117 = arith.constant 0 : i32
      %cond3A_118 = arith.cmpi ne, %convert_element_type3A_116, %cond3A_117 : i32
      scf.if %cond3A_118 {
        %add3A_137 = arith.constant 2 : i32
        %add3A_138 = arith.addi %add3A_89, %add3A_137 : i32
        %mul3A_139 = arith.constant 16 : i32
        %mul3A_140 = arith.muli %add3A_138, %mul3A_139 : i32
        %add3A_141 = arith.addi %mul3A_2, %mul3A_140 : i32
        %mul3A_142 = arith.constant 50 : i32
        %mul3A_143 = arith.muli %add3A_141, %mul3A_142 : i32
        %dma_start3A_144 = tpu.memref_slice %arg2[%mul3A_143] : memref<819200xi32, #tpu.memory_space<hbm>> -> memref<800xi32, #tpu.memory_space<hbm>>
        %dma_start3A_145 = tpu.memref_slice %arg2[%mul3A_143] : memref<819200xi32, #tpu.memory_space<hbm>> -> memref<800xi32, #tpu.memory_space<hbm>>
        tpu.enqueue_dma source(%dma_start3A_145 : memref<800xi32, #tpu.memory_space<hbm>>) target(%arg6 : memref<800xi32, #tpu.memory_space<vmem>>) target_semaphore(%arg19 : memref<!tpu.dma_semaphore, #tpu.memory_space<semaphore_mem>>)
      } else {
      }
      %ge3A_119 = arith.constant 2 : i32
      %ge3A_120 = arith.cmpi sge, %add3A_89, %ge3A_119 : i32
      %convert_element_type3A_121 = arith.extui %ge3A_120 : i1 to i32
      %cond3A_122 = arith.constant 0 : i32
      %cond3A_123 = arith.cmpi ne, %convert_element_type3A_121, %cond3A_122 : i32
      scf.if %cond3A_123 {
        %dma_wait3A_137 = arith.constant 0 : i32
        %dma_wait3A_138 = arith.constant 0 : i32
        %dma_wait3A_139 = tpu.memref_slice %arg4[%dma_wait3A_137, %dma_wait3A_138] : memref<16384x64xf32, #tpu.memory_space<hbm>> -> memref<16x64xf32, #tpu.memory_space<hbm>>
        %dma_wait3A_140 = arith.constant 0 : i32
        %dma_wait3A_141 = arith.constant 0 : i32
        %dma_wait3A_142 = tpu.memref_slice %arg4[%dma_wait3A_140, %dma_wait3A_141] : memref<16384x64xf32, #tpu.memory_space<hbm>> -> memref<16x64xf32, #tpu.memory_space<hbm>>
        tpu.wait_dma2 semaphore(%arg17 : memref<!tpu.dma_semaphore, #tpu.memory_space<semaphore_mem>>) src(%arg10 : memref<16x64xf32, #tpu.memory_space<vmem>>) dst(%dma_wait3A_142 : memref<16x64xf32, #tpu.memory_space<hbm>>)
      } else {
      }
      %mul3A_124 = arith.constant 16 : i32
      %mul3A_125 = arith.muli %add3A_89, %mul3A_124 : i32
      %add3A_126 = arith.addi %mul3A_2, %mul3A_125 : i32
      %scan3A_127 = arith.constant 0 : i32
      %scan3A_128 = arith.constant 0 : i32
      %scan3A_129 = arith.constant 16 : i32
      %scan3A_130 = arith.addi %scan3A_128, %scan3A_129 : i32
      %scan3A_131 = arith.constant 1 : i32
      scf.for %scan3A_137 = %scan3A_128 to %scan3A_130 step %scan3A_131  : i32 {
        %mul3A_138 = arith.constant 50 : i32
        %mul3A_139 = arith.muli %scan3A_137, %mul3A_138 : i32
        %broadcast_in_dim3A_140 = vector.broadcast %scan3A_137 : i32 to vector<16xi32>
        %gather3A = tpu.vector_load_idx %arg11[%broadcast_in_dim3A_140] : memref<16xf32, #tpu.memory_space<vmem>>[vector<16xi32>], vector<16xf32>,
        %broadcast_in_dim3A_141 = arith.constant 0.000000e+00 : f32
        %broadcast_in_dim3A_142 = vector.broadcast %broadcast_in_dim3A_141 : f32 to vector<16xf32>
        %broadcast_in_dim3A_143 = arith.constant 0.000000e+00 : f32
        %broadcast_in_dim3A_144 = vector.broadcast %broadcast_in_dim3A_143 : f32 to vector<16xf32>
        %broadcast_in_dim3A_145 = arith.constant 0.000000e+00 : f32
        %broadcast_in_dim3A_146 = vector.broadcast %broadcast_in_dim3A_145 : f32 to vector<16xf32>
        %broadcast_in_dim3A_147 = arith.constant 0.000000e+00 : f32
        %broadcast_in_dim3A_148 = vector.broadcast %broadcast_in_dim3A_147 : f32 to vector<16xf32>
        %scan3A_149 = arith.constant 0 : i32
        %scan3A_150 = arith.constant 50 : i32
        %scan3A_151 = arith.addi %scan3A_149, %scan3A_150 : i32
        %scan3A_152 = arith.constant 10 : i32
        %scan3A_153:4 = scf.for %scan3A_171 = %scan3A_149 to %scan3A_151 step %scan3A_152 iter_args(%scan3A_172 = %broadcast_in_dim3A_142, %scan3A_173 = %broadcast_in_dim3A_144, %scan3A_174 = %broadcast_in_dim3A_146, %scan3A_175 = %broadcast_in_dim3A_148) -> (vector<16xf32>, vector<16xf32>, vector<16xf32>, vector<16xf32>)  : i32 {
          %add3A_176 = arith.addi %mul3A_139, %scan3A_171 : i32
          %get3A = arith.index_cast %add3A_176 : i32 to index
          %get3A_177 = arith.constant 0 : index
          %get3A_178 = tpu.vector_load %arg8[%get3A, %get3A_177] {strides = array<i32>} : memref<800x64xf32, #tpu.memory_space<vmem>>, vector<16xf32>,
          %add3A_179 = arith.addf %scan3A_172, %get3A_178 : vector<16xf32>
          %get3A_180 = arith.index_cast %add3A_176 : i32 to index
          %get3A_181 = arith.constant 16 : index
          %get3A_182 = tpu.vector_load %arg8[%get3A_180, %get3A_181] {strides = array<i32>} : memref<800x64xf32, #tpu.memory_space<vmem>>, vector<16xf32>,
          %add3A_183 = arith.addf %scan3A_173, %get3A_182 : vector<16xf32>
          %get3A_184 = arith.index_cast %add3A_176 : i32 to index
          %get3A_185 = arith.constant 32 : index
          %get3A_186 = tpu.vector_load %arg8[%get3A_184, %get3A_185] {strides = array<i32>} : memref<800x64xf32, #tpu.memory_space<vmem>>, vector<16xf32>,
          %add3A_187 = arith.addf %scan3A_174, %get3A_186 : vector<16xf32>
          %get3A_188 = arith.index_cast %add3A_176 : i32 to index
          %get3A_189 = arith.constant 48 : index
          %get3A_190 = tpu.vector_load %arg8[%get3A_188, %get3A_189] {strides = array<i32>} : memref<800x64xf32, #tpu.memory_space<vmem>>, vector<16xf32>,
          %add3A_191 = arith.addf %scan3A_175, %get3A_190 : vector<16xf32>
          %scan3A_192 = arith.constant 1 : i32
          %scan3A_193 = arith.addi %scan3A_171, %scan3A_192 : i32
          %add3A_194 = arith.addi %mul3A_139, %scan3A_193 : i32
          %get3A_195 = arith.index_cast %add3A_194 : i32 to index
          %get3A_196 = arith.constant 0 : index
          %get3A_197 = tpu.vector_load %arg8[%get3A_195, %get3A_196] {strides = array<i32>} : memref<800x64xf32, #tpu.memory_space<vmem>>, vector<16xf32>,
          %add3A_198 = arith.addf %add3A_179, %get3A_197 : vector<16xf32>
          %get3A_199 = arith.index_cast %add3A_194 : i32 to index
          %get3A_200 = arith.constant 16 : index
          %get3A_201 = tpu.vector_load %arg8[%get3A_199, %get3A_200] {strides = array<i32>} : memref<800x64xf32, #tpu.memory_space<vmem>>, vector<16xf32>,
          %add3A_202 = arith.addf %add3A_183, %get3A_201 : vector<16xf32>
          %get3A_203 = arith.index_cast %add3A_194 : i32 to index
          %get3A_204 = arith.constant 32 : index
          %get3A_205 = tpu.vector_load %arg8[%get3A_203, %get3A_204] {strides = array<i32>} : memref<800x64xf32, #tpu.memory_space<vmem>>, vector<16xf32>,
          %add3A_206 = arith.addf %add3A_187, %get3A_205 : vector<16xf32>
          %get3A_207 = arith.index_cast %add3A_194 : i32 to index
          %get3A_208 = arith.constant 48 : index
          %get3A_209 = tpu.vector_load %arg8[%get3A_207, %get3A_208] {strides = array<i32>} : memref<800x64xf32, #tpu.memory_space<vmem>>, vector<16xf32>,
          %add3A_210 = arith.addf %add3A_191, %get3A_209 : vector<16xf32>
          %scan3A_211 = arith.constant 2 : i32
          %scan3A_212 = arith.addi %scan3A_171, %scan3A_211 : i32
          %add3A_213 = arith.addi %mul3A_139, %scan3A_212 : i32
          %get3A_214 = arith.index_cast %add3A_213 : i32 to index
          %get3A_215 = arith.constant 0 : index
          %get3A_216 = tpu.vector_load %arg8[%get3A_214, %get3A_215] {strides = array<i32>} : memref<800x64xf32, #tpu.memory_space<vmem>>, vector<16xf32>,
          %add3A_217 = arith.addf %add3A_198, %get3A_216 : vector<16xf32>
          %get3A_218 = arith.index_cast %add3A_213 : i32 to index
          %get3A_219 = arith.constant 16 : index
          %get3A_220 = tpu.vector_load %arg8[%get3A_218, %get3A_219] {strides = array<i32>} : memref<800x64xf32, #tpu.memory_space<vmem>>, vector<16xf32>,
          %add3A_221 = arith.addf %add3A_202, %get3A_220 : vector<16xf32>
          %get3A_222 = arith.index_cast %add3A_213 : i32 to index
          %get3A_223 = arith.constant 32 : index
          %get3A_224 = tpu.vector_load %arg8[%get3A_222, %get3A_223] {strides = array<i32>} : memref<800x64xf32, #tpu.memory_space<vmem>>, vector<16xf32>,
          %add3A_225 = arith.addf %add3A_206, %get3A_224 : vector<16xf32>
          %get3A_226 = arith.index_cast %add3A_213 : i32 to index
          %get3A_227 = arith.constant 48 : index
          %get3A_228 = tpu.vector_load %arg8[%get3A_226, %get3A_227] {strides = array<i32>} : memref<800x64xf32, #tpu.memory_space<vmem>>, vector<16xf32>,
          %add3A_229 = arith.addf %add3A_210, %get3A_228 : vector<16xf32>
          %scan3A_230 = arith.constant 3 : i32
          %scan3A_231 = arith.addi %scan3A_171, %scan3A_230 : i32
          %add3A_232 = arith.addi %mul3A_139, %scan3A_231 : i32
          %get3A_233 = arith.index_cast %add3A_232 : i32 to index
          %get3A_234 = arith.constant 0 : index
          %get3A_235 = tpu.vector_load %arg8[%get3A_233, %get3A_234] {strides = array<i32>} : memref<800x64xf32, #tpu.memory_space<vmem>>, vector<16xf32>,
          %add3A_236 = arith.addf %add3A_217, %get3A_235 : vector<16xf32>
          %get3A_237 = arith.index_cast %add3A_232 : i32 to index
          %get3A_238 = arith.constant 16 : index
          %get3A_239 = tpu.vector_load %arg8[%get3A_237, %get3A_238] {strides = array<i32>} : memref<800x64xf32, #tpu.memory_space<vmem>>, vector<16xf32>,
          %add3A_240 = arith.addf %add3A_221, %get3A_239 : vector<16xf32>
          %get3A_241 = arith.index_cast %add3A_232 : i32 to index
          %get3A_242 = arith.constant 32 : index
          %get3A_243 = tpu.vector_load %arg8[%get3A_241, %get3A_242] {strides = array<i32>} : memref<800x64xf32, #tpu.memory_space<vmem>>, vector<16xf32>,
          %add3A_244 = arith.addf %add3A_225, %get3A_243 : vector<16xf32>
          %get3A_245 = arith.index_cast %add3A_232 : i32 to index
          %get3A_246 = arith.constant 48 : index
          %get3A_247 = tpu.vector_load %arg8[%get3A_245, %get3A_246] {strides = array<i32>} : memref<800x64xf32, #tpu.memory_space<vmem>>, vector<16xf32>,
          %add3A_248 = arith.addf %add3A_229, %get3A_247 : vector<16xf32>
          %scan3A_249 = arith.constant 4 : i32
          %scan3A_250 = arith.addi %scan3A_171, %scan3A_249 : i32
          %add3A_251 = arith.addi %mul3A_139, %scan3A_250 : i32
          %get3A_252 = arith.index_cast %add3A_251 : i32 to index
          %get3A_253 = arith.constant 0 : index
          %get3A_254 = tpu.vector_load %arg8[%get3A_252, %get3A_253] {strides = array<i32>} : memref<800x64xf32, #tpu.memory_space<vmem>>, vector<16xf32>,
          %add3A_255 = arith.addf %add3A_236, %get3A_254 : vector<16xf32>
          %get3A_256 = arith.index_cast %add3A_251 : i32 to index
          %get3A_257 = arith.constant 16 : index
          %get3A_258 = tpu.vector_load %arg8[%get3A_256, %get3A_257] {strides = array<i32>} : memref<800x64xf32, #tpu.memory_space<vmem>>, vector<16xf32>,
          %add3A_259 = arith.addf %add3A_240, %get3A_258 : vector<16xf32>
          %get3A_260 = arith.index_cast %add3A_251 : i32 to index
          %get3A_261 = arith.constant 32 : index
          %get3A_262 = tpu.vector_load %arg8[%get3A_260, %get3A_261] {strides = array<i32>} : memref<800x64xf32, #tpu.memory_space<vmem>>, vector<16xf32>,
          %add3A_263 = arith.addf %add3A_244, %get3A_262 : vector<16xf32>
          %get3A_264 = arith.index_cast %add3A_251 : i32 to index
          %get3A_265 = arith.constant 48 : index
          %get3A_266 = tpu.vector_load %arg8[%get3A_264, %get3A_265] {strides = array<i32>} : memref<800x64xf32, #tpu.memory_space<vmem>>, vector<16xf32>,
          %add3A_267 = arith.addf %add3A_248, %get3A_266 : vector<16xf32>
          %scan3A_268 = arith.constant 5 : i32
          %scan3A_269 = arith.addi %scan3A_171, %scan3A_268 : i32
          %add3A_270 = arith.addi %mul3A_139, %scan3A_269 : i32
          %get3A_271 = arith.index_cast %add3A_270 : i32 to index
          %get3A_272 = arith.constant 0 : index
          %get3A_273 = tpu.vector_load %arg8[%get3A_271, %get3A_272] {strides = array<i32>} : memref<800x64xf32, #tpu.memory_space<vmem>>, vector<16xf32>,
          %add3A_274 = arith.addf %add3A_255, %get3A_273 : vector<16xf32>
          %get3A_275 = arith.index_cast %add3A_270 : i32 to index
          %get3A_276 = arith.constant 16 : index
          %get3A_277 = tpu.vector_load %arg8[%get3A_275, %get3A_276] {strides = array<i32>} : memref<800x64xf32, #tpu.memory_space<vmem>>, vector<16xf32>,
          %add3A_278 = arith.addf %add3A_259, %get3A_277 : vector<16xf32>
          %get3A_279 = arith.index_cast %add3A_270 : i32 to index
          %get3A_280 = arith.constant 32 : index
          %get3A_281 = tpu.vector_load %arg8[%get3A_279, %get3A_280] {strides = array<i32>} : memref<800x64xf32, #tpu.memory_space<vmem>>, vector<16xf32>,
          %add3A_282 = arith.addf %add3A_263, %get3A_281 : vector<16xf32>
          %get3A_283 = arith.index_cast %add3A_270 : i32 to index
          %get3A_284 = arith.constant 48 : index
          %get3A_285 = tpu.vector_load %arg8[%get3A_283, %get3A_284] {strides = array<i32>} : memref<800x64xf32, #tpu.memory_space<vmem>>, vector<16xf32>,
          %add3A_286 = arith.addf %add3A_267, %get3A_285 : vector<16xf32>
          %scan3A_287 = arith.constant 6 : i32
          %scan3A_288 = arith.addi %scan3A_171, %scan3A_287 : i32
          %add3A_289 = arith.addi %mul3A_139, %scan3A_288 : i32
          %get3A_290 = arith.index_cast %add3A_289 : i32 to index
          %get3A_291 = arith.constant 0 : index
          %get3A_292 = tpu.vector_load %arg8[%get3A_290, %get3A_291] {strides = array<i32>} : memref<800x64xf32, #tpu.memory_space<vmem>>, vector<16xf32>,
          %add3A_293 = arith.addf %add3A_274, %get3A_292 : vector<16xf32>
          %get3A_294 = arith.index_cast %add3A_289 : i32 to index
          %get3A_295 = arith.constant 16 : index
          %get3A_296 = tpu.vector_load %arg8[%get3A_294, %get3A_295] {strides = array<i32>} : memref<800x64xf32, #tpu.memory_space<vmem>>, vector<16xf32>,
          %add3A_297 = arith.addf %add3A_278, %get3A_296 : vector<16xf32>
          %get3A_298 = arith.index_cast %add3A_289 : i32 to index
          %get3A_299 = arith.constant 32 : index
          %get3A_300 = tpu.vector_load %arg8[%get3A_298, %get3A_299] {strides = array<i32>} : memref<800x64xf32, #tpu.memory_space<vmem>>, vector<16xf32>,
          %add3A_301 = arith.addf %add3A_282, %get3A_300 : vector<16xf32>
          %get3A_302 = arith.index_cast %add3A_289 : i32 to index
          %get3A_303 = arith.constant 48 : index
          %get3A_304 = tpu.vector_load %arg8[%get3A_302, %get3A_303] {strides = array<i32>} : memref<800x64xf32, #tpu.memory_space<vmem>>, vector<16xf32>,
          %add3A_305 = arith.addf %add3A_286, %get3A_304 : vector<16xf32>
          %scan3A_306 = arith.constant 7 : i32
          %scan3A_307 = arith.addi %scan3A_171, %scan3A_306 : i32
          %add3A_308 = arith.addi %mul3A_139, %scan3A_307 : i32
          %get3A_309 = arith.index_cast %add3A_308 : i32 to index
          %get3A_310 = arith.constant 0 : index
          %get3A_311 = tpu.vector_load %arg8[%get3A_309, %get3A_310] {strides = array<i32>} : memref<800x64xf32, #tpu.memory_space<vmem>>, vector<16xf32>,
          %add3A_312 = arith.addf %add3A_293, %get3A_311 : vector<16xf32>
          %get3A_313 = arith.index_cast %add3A_308 : i32 to index
          %get3A_314 = arith.constant 16 : index
          %get3A_315 = tpu.vector_load %arg8[%get3A_313, %get3A_314] {strides = array<i32>} : memref<800x64xf32, #tpu.memory_space<vmem>>, vector<16xf32>,
          %add3A_316 = arith.addf %add3A_297, %get3A_315 : vector<16xf32>
          %get3A_317 = arith.index_cast %add3A_308 : i32 to index
          %get3A_318 = arith.constant 32 : index
          %get3A_319 = tpu.vector_load %arg8[%get3A_317, %get3A_318] {strides = array<i32>} : memref<800x64xf32, #tpu.memory_space<vmem>>, vector<16xf32>,
          %add3A_320 = arith.addf %add3A_301, %get3A_319 : vector<16xf32>
          %get3A_321 = arith.index_cast %add3A_308 : i32 to index
          %get3A_322 = arith.constant 48 : index
          %get3A_323 = tpu.vector_load %arg8[%get3A_321, %get3A_322] {strides = array<i32>} : memref<800x64xf32, #tpu.memory_space<vmem>>, vector<16xf32>,
          %add3A_324 = arith.addf %add3A_305, %get3A_323 : vector<16xf32>
          %scan3A_325 = arith.constant 8 : i32
          %scan3A_326 = arith.addi %scan3A_171, %scan3A_325 : i32
          %add3A_327 = arith.addi %mul3A_139, %scan3A_326 : i32
          %get3A_328 = arith.index_cast %add3A_327 : i32 to index
          %get3A_329 = arith.constant 0 : index
          %get3A_330 = tpu.vector_load %arg8[%get3A_328, %get3A_329] {strides = array<i32>} : memref<800x64xf32, #tpu.memory_space<vmem>>, vector<16xf32>,
          %add3A_331 = arith.addf %add3A_312, %get3A_330 : vector<16xf32>
          %get3A_332 = arith.index_cast %add3A_327 : i32 to index
          %get3A_333 = arith.constant 16 : index
          %get3A_334 = tpu.vector_load %arg8[%get3A_332, %get3A_333] {strides = array<i32>} : memref<800x64xf32, #tpu.memory_space<vmem>>, vector<16xf32>,
          %add3A_335 = arith.addf %add3A_316, %get3A_334 : vector<16xf32>
          %get3A_336 = arith.index_cast %add3A_327 : i32 to index
          %get3A_337 = arith.constant 32 : index
          %get3A_338 = tpu.vector_load %arg8[%get3A_336, %get3A_337] {strides = array<i32>} : memref<800x64xf32, #tpu.memory_space<vmem>>, vector<16xf32>,
          %add3A_339 = arith.addf %add3A_320, %get3A_338 : vector<16xf32>
          %get3A_340 = arith.index_cast %add3A_327 : i32 to index
          %get3A_341 = arith.constant 48 : index
          %get3A_342 = tpu.vector_load %arg8[%get3A_340, %get3A_341] {strides = array<i32>} : memref<800x64xf32, #tpu.memory_space<vmem>>, vector<16xf32>,
          %add3A_343 = arith.addf %add3A_324, %get3A_342 : vector<16xf32>
          %scan3A_344 = arith.constant 9 : i32
          %scan3A_345 = arith.addi %scan3A_171, %scan3A_344 : i32
          %add3A_346 = arith.addi %mul3A_139, %scan3A_345 : i32
          %get3A_347 = arith.index_cast %add3A_346 : i32 to index
          %get3A_348 = arith.constant 0 : index
          %get3A_349 = tpu.vector_load %arg8[%get3A_347, %get3A_348] {strides = array<i32>} : memref<800x64xf32, #tpu.memory_space<vmem>>, vector<16xf32>,
          %add3A_350 = arith.addf %add3A_331, %get3A_349 : vector<16xf32>
          %get3A_351 = arith.index_cast %add3A_346 : i32 to index
          %get3A_352 = arith.constant 16 : index
          %get3A_353 = tpu.vector_load %arg8[%get3A_351, %get3A_352] {strides = array<i32>} : memref<800x64xf32, #tpu.memory_space<vmem>>, vector<16xf32>,
          %add3A_354 = arith.addf %add3A_335, %get3A_353 : vector<16xf32>
          %get3A_355 = arith.index_cast %add3A_346 : i32 to index
          %get3A_356 = arith.constant 32 : index
          %get3A_357 = tpu.vector_load %arg8[%get3A_355, %get3A_356] {strides = array<i32>} : memref<800x64xf32, #tpu.memory_space<vmem>>, vector<16xf32>,
          %add3A_358 = arith.addf %add3A_339, %get3A_357 : vector<16xf32>
          %get3A_359 = arith.index_cast %add3A_346 : i32 to index
          %get3A_360 = arith.constant 48 : index
          %get3A_361 = tpu.vector_load %arg8[%get3A_359, %get3A_360] {strides = array<i32>} : memref<800x64xf32, #tpu.memory_space<vmem>>, vector<16xf32>,
          %add3A_362 = arith.addf %add3A_343, %get3A_361 : vector<16xf32>
          scf.yield %add3A_350, %add3A_354, %add3A_358, %add3A_362 : vector<16xf32>, vector<16xf32>, vector<16xf32>, vector<16xf32>
        }
        %scan3A_154 = arith.constant 50 : i32
        %mul3A_155 = arith.mulf %scan3A_153#0, %gather3A : vector<16xf32>
        %swap3A_156 = arith.index_cast %scan3A_137 : i32 to index
        %swap3A_157 = arith.constant 0 : index
        %swap3A_158 = tpu.vector_load %arg10[%swap3A_156, %swap3A_157] {strides = array<i32>} : memref<16x64xf32, #tpu.memory_space<vmem>>, vector<16xf32>,
        tpu.vector_store %arg10[%swap3A_156, %swap3A_157], %mul3A_155 {strides = array<i32>} : memref<16x64xf32, #tpu.memory_space<vmem>>, vector<16xf32>,
        %mul3A_159 = arith.mulf %scan3A_153#1, %gather3A : vector<16xf32>
        %swap3A_160 = arith.index_cast %scan3A_137 : i32 to index
        %swap3A_161 = arith.constant 16 : index
        %swap3A_162 = tpu.vector_load %arg10[%swap3A_160, %swap3A_161] {strides = array<i32>} : memref<16x64xf32, #tpu.memory_space<vmem>>, vector<16xf32>,
        tpu.vector_store %arg10[%swap3A_160, %swap3A_161], %mul3A_159 {strides = array<i32>} : memref<16x64xf32, #tpu.memory_space<vmem>>, vector<16xf32>,
        %mul3A_163 = arith.mulf %scan3A_153#2, %gather3A : vector<16xf32>
        %swap3A_164 = arith.index_cast %scan3A_137 : i32 to index
        %swap3A_165 = arith.constant 32 : index
        %swap3A_166 = tpu.vector_load %arg10[%swap3A_164, %swap3A_165] {strides = array<i32>} : memref<16x64xf32, #tpu.memory_space<vmem>>, vector<16xf32>,
        tpu.vector_store %arg10[%swap3A_164, %swap3A_165], %mul3A_163 {strides = array<i32>} : memref<16x64xf32, #tpu.memory_space<vmem>>, vector<16xf32>,
        %mul3A_167 = arith.mulf %scan3A_153#3, %gather3A : vector<16xf32>
        %swap3A_168 = arith.index_cast %scan3A_137 : i32 to index
        %swap3A_169 = arith.constant 48 : index
        %swap3A_170 = tpu.vector_load %arg10[%swap3A_168, %swap3A_169] {strides = array<i32>} : memref<16x64xf32, #tpu.memory_space<vmem>>, vector<16xf32>,
        tpu.vector_store %arg10[%swap3A_168, %swap3A_169], %mul3A_167 {strides = array<i32>} : memref<16x64xf32, #tpu.memory_space<vmem>>, vector<16xf32>,
      }
      %scan3A_132 = arith.constant 16 : i32
      %dma_start3A_133 = arith.constant 0 : i32
      %dma_start3A_134 = tpu.memref_slice %arg4[%add3A_126, %dma_start3A_133] : memref<16384x64xf32, #tpu.memory_space<hbm>> -> memref<16x64xf32, #tpu.memory_space<hbm>>
      %dma_start3A_135 = arith.constant 0 : i32
      %dma_start3A_136 = tpu.memref_slice %arg4[%add3A_126, %dma_start3A_135] : memref<16384x64xf32, #tpu.memory_space<hbm>> -> memref<16x64xf32, #tpu.memory_space<hbm>>
      tpu.enqueue_dma source(%arg10 : memref<16x64xf32, #tpu.memory_space<vmem>>) target(%dma_start3A_136 : memref<16x64xf32, #tpu.memory_space<hbm>>) target_semaphore(%arg17 : memref<!tpu.dma_semaphore, #tpu.memory_space<semaphore_mem>>)
    }
    %scan3A_27 = arith.constant 16 : i32
    %dma_wait3A_28 = arith.constant 0 : i32
    %dma_wait3A_29 = arith.constant 0 : i32
    %dma_wait3A_30 = tpu.memref_slice %arg4[%dma_wait3A_28, %dma_wait3A_29] : memref<16384x64xf32, #tpu.memory_space<hbm>> -> memref<16x64xf32, #tpu.memory_space<hbm>>
    %dma_wait3A_31 = arith.constant 0 : i32
    %dma_wait3A_32 = arith.constant 0 : i32
    %dma_wait3A_33 = tpu.memref_slice %arg4[%dma_wait3A_31, %dma_wait3A_32] : memref<16384x64xf32, #tpu.memory_space<hbm>> -> memref<16x64xf32, #tpu.memory_space<hbm>>
    tpu.wait_dma2 semaphore(%arg16 : memref<!tpu.dma_semaphore, #tpu.memory_space<semaphore_mem>>) src(%arg9 : memref<16x64xf32, #tpu.memory_space<vmem>>) dst(%dma_wait3A_33 : memref<16x64xf32, #tpu.memory_space<hbm>>)
    %dma_wait3A_34 = arith.constant 0 : i32
    %dma_wait3A_35 = arith.constant 0 : i32
    %dma_wait3A_36 = tpu.memref_slice %arg4[%dma_wait3A_34, %dma_wait3A_35] : memref<16384x64xf32, #tpu.memory_space<hbm>> -> memref<16x64xf32, #tpu.memory_space<hbm>>
    %dma_wait3A_37 = arith.constant 0 : i32
    %dma_wait3A_38 = arith.constant 0 : i32
    %dma_wait3A_39 = tpu.memref_slice %arg4[%dma_wait3A_37, %dma_wait3A_38] : memref<16384x64xf32, #tpu.memory_space<hbm>> -> memref<16x64xf32, #tpu.memory_space<hbm>>
    tpu.wait_dma2 semaphore(%arg17 : memref<!tpu.dma_semaphore, #tpu.memory_space<semaphore_mem>>) src(%arg10 : memref<16x64xf32, #tpu.memory_space<vmem>>) dst(%dma_wait3A_39 : memref<16x64xf32, #tpu.memory_space<hbm>>)
    return
  }
}

</mosaic_0001>

<sc_bundles>
// kernel: kernel.3.cloned.1.call-start
scs
__scs_entry_jumppad:
0x0: {  	(pc) =	sbr.rel $0x88, $3  }
0x1: {  	(tag) =	ssettag $0x0;
	lr =	simm.s32 $0x1  }
0x2: {  	[smem:$0x3F9F] =	sst lr;
	_ =	strace $0xD0000000  }
0x3: {  	_ = 	snop  }
0x4: {  	_ = 	snop  }
0x5: {  	_ = 	snop  }
0x6: {  	_ = 	snop  }
0x7: {  	_ = 	snop  }
__scs_overlays_trampoline_lowered:
0x8: {  	[smem:$0x3FAE] =	sst s0  }
0x9: {  	[smem:$0x3FAF] =	sst s1  }
0xa: {  	[smem:$0x3FB0] =	sst s2  }
0xb: {  	[smem:$0x3FB1] =	sst s3  }
0xc: {  	[smem:$0x3FB2] =	sst s4  }
0xd: {  	[smem:$0x3FB3] =	sst s5  }
0xe: {  	[smem:$0x3FB4] =	sst s6  }
0xf: {  	[smem:$0x3FB5] =	sst s7  }
0x10: {  	[smem:$0x3FB6] =	sst s8  }
0x11: {  	[smem:$0x3FB7] =	sst s9;
	s0 =	simm.s32 @!p0 $0x0  }
0x12: {  	s1 =	sld [smem:$0x3F9D];
	s0 =	simm.s32 @p0 $0x1  }
0x13: {  	[smem:$0x3FB8] =	sst s0;
	s0 =	simm.s32 @!p1 $0x0  }
0x14: {  	s2 =	sld [smem:$0x3F9C];
	s0 =	simm.s32 @p1 $0x1  }
0x15: {  	[smem:$0x3FB9] =	sst s0;
	s0 =	simm.s32 @!p2 $0x0  }
0x16: {  	s3 =	sld [smem:$0x3FDB];
	s0 =	simm.s32 @p2 $0x1  }
0x17: {  	s4 =	simm.s32 $0x1BF5;
	[smem:$0x3FBB] =	sst s0  }
0x18: {  	s0 =	sld [smem:$0x3F9E];
	_ =	swait.ge [sflag:s4], $0x0  }
0x19: {  	s7 =	sld [smem:$0x3F9F]  }
0x1a: {  	s8 =	sadd.s32 $0xFFFFE003, lr  }
0x1b: {  	s9 =	sadd.s32 $0xFFFFFEF7, lr;
	s5 =	simm.s32 $0xFFFFFFFF;
	p2 =	slt.u32 s8, $0xFFFFF086  }
0x1c: {  	p1 =	slt.u32 s9, $0xF7A;
	s5 =	simm.s32 @!p2 $0x0  }
0x1d: {  	s5 =	simm.s32 @p1 $0x1;
	p0 =	seq.s32 s7, s2  }
0x1e: {  	s7 =	smul.u32 @!p0 $0xF7A, s2;
	p2 =	seq.s32 @!p0 s5, $0x0  }
0x1f: {  	s9 =	smul.u32 $0xF7A, s1;
	s8 =	simm.s32 @!p0 $0x1BF5;
	p2 =	por !p2, p0  }
0x20: {  	[sflag:s8] =	ssyncset.s32 @!p0 $0xFFFFF086;
	s6 =	sadd.s32 @!p0 s3, s7;
	s7 =	simm.s32 @!p0 $0x108  }
0x21: {  	s3 =	sadd.s32 s3, s9;
	s6 =	sadd.s32 @!p0 $0x88, s6;
	s7 =	simm.s32 @p2 $0x1082  }
0x22: {  	[simem:s7], [sflag:s8] =	dma.local @!p0 [hbm:s6], $0xF7A  }
0x23: {  	s9 =	sor.u32 $0xD0000000, s2;
	s6 =	simm.s32 $0x108;
	_ =	swait.ge @!p0 [sflag:s8], $0x0  }
0x24: {  	s3 =	sadd.s32 $0x88, s3;
	s6 =	simm.s32 @!p1 $0x1082;
	[sflag:s4] =	ssyncset.s32 $0xFFFFF086  }
0x25: {  	[simem:s6], [sflag:s4] =	dma.local [hbm:s3], $0xF7A  }
0x26: {  	[smem:$0x3F9F] =	sst s1;
	(tag) =	ssettag s2;
	_ =	strace s9  }
0x27: {  	s1 =	sld [smem:$0x3FAF]  }
0x28: {  	s2 =	sld [smem:$0x3FB0]  }
0x29: {  	s4 =	sld [smem:$0x3FB2]  }
0x2a: {  	p0 =	seq.s32 s5, $0x0;
	s5 =	sld [smem:$0x3FB3]  }
0x2b: {  	s6 =	sld [smem:$0x3FB4]  }
0x2c: {  	s7 =	sld [smem:$0x3FB5]  }
0x2d: {  	s3 =	simm.s32 $0x108;
	s8 =	sld [smem:$0x3FB6]  }
0x2e: {  	s3 =	simm.s32 @!p0 $0x1082;
	s9 =	sld [smem:$0x3FB7]  }
0x2f: {  	lr =	sadd.s32 s0, s3;
	s0 =	sld [smem:$0x3FAE]  }
0x30: {  	s3 =	sld [smem:$0x3FB1]  }
0x31: {  	[smem:$0x3FBA] =	sst s10  }
0x32: {  	s10 =	sld [smem:$0x3FB8];
	_ =	sdelay $0x3  }
0x33: {  	p0 =	seq.s32 s10, $0x1;
	s10 =	sld [smem:$0x3FBA];
	_ =	sdelay $0x3  }
0x34: {  	[smem:$0x3FBA] =	sst s10  }
0x35: {  	s10 =	sld [smem:$0x3FB9];
	_ =	sdelay $0x3  }
0x36: {  	p1 =	seq.s32 s10, $0x1;
	s10 =	sld [smem:$0x3FBA];
	_ =	sdelay $0x3  }
0x37: {  	[smem:$0x3FBA] =	sst s10  }
0x38: {  	s10 =	sld [smem:$0x3FBB]  }
0x39: {  	_ = 	snop;
	(pc) =	sbr.ind lr, $3  }
0x3a: {  	_ = 	snop  }
0x3b: {  	_ = 	snop  }
0x3c: {  	p2 =	seq.s32 s10, $0x1;
	s10 =	sld [smem:$0x3FBA]  }
0x3d: {  	_ =	shalt  }
0x3e: {  	_ =	shalt  }
0x3f: {  	_ =	shalt  }
0x40: {  	_ =	shalt  }
0x41: {  	_ =	shalt  }
0x42: {  	_ =	shalt  }
0x43: {  	_ =	shalt  }
0x44: {  	_ =	shalt  }
0x45: {  	_ =	shalt  }
0x46: {  	_ =	shalt  }
0x47: {  	_ =	shalt  }
0x48: {  	_ =	shalt  }
0x49: {  	_ =	shalt  }
0x4a: {  	_ =	shalt  }
0x4b: {  	_ =	shalt  }
0x4c: {  	_ =	shalt  }
0x4d: {  	_ =	shalt  }
0x4e: {  	_ =	shalt  }
0x4f: {  	_ =	shalt  }
0x50: {  	_ =	shalt  }
0x51: {  	_ =	shalt  }
0x52: {  	_ =	shalt  }
0x53: {  	_ =	shalt  }
0x54: {  	_ =	shalt  }
0x55: {  	_ =	shalt  }
0x56: {  	_ =	shalt  }
0x57: {  	_ =	shalt  }
0x58: {  	_ =	shalt  }
0x59: {  	_ =	shalt  }
0x5a: {  	_ =	shalt  }
0x5b: {  	_ =	shalt  }
0x5c: {  	_ =	shalt  }
0x5d: {  	_ =	shalt  }
0x5e: {  	_ =	shalt  }
0x5f: {  	_ =	shalt  }
0x60: {  	_ =	shalt  }
0x61: {  	_ =	shalt  }
0x62: {  	_ =	shalt  }
0x63: {  	_ =	shalt  }
0x64: {  	_ =	shalt  }
0x65: {  	_ =	shalt  }
0x66: {  	_ =	shalt  }
0x67: {  	_ =	shalt  }
0x68: {  	_ =	shalt  }
0x69: {  	_ =	shalt  }
0x6a: {  	_ =	shalt  }
0x6b: {  	_ =	shalt  }
0x6c: {  	_ =	shalt  }
0x6d: {  	_ =	shalt  }
0x6e: {  	_ =	shalt  }
0x6f: {  	_ =	shalt  }
0x70: {  	_ =	shalt  }
0x71: {  	_ =	shalt  }
0x72: {  	_ =	shalt  }
0x73: {  	_ =	shalt  }
0x74: {  	_ =	shalt  }
0x75: {  	_ =	shalt  }
0x76: {  	_ =	shalt  }
0x77: {  	_ =	shalt  }
0x78: {  	_ =	shalt  }
0x79: {  	_ =	shalt  }
0x7a: {  	_ =	shalt  }
0x7b: {  	_ =	shalt  }
0x7c: {  	_ =	shalt  }
0x7d: {  	_ =	shalt  }
0x7e: {  	_ =	shalt  }
0x7f: {  	_ =	shalt  }
0x80: {  	_ =	shalt  }
0x81: {  	_ =	shalt  }
0x82: {  	_ =	shalt  }
0x83: {  	_ =	shalt  }
0x84: {  	_ =	shalt  }
0x85: {  	_ =	shalt  }
0x86: {  	_ =	shalt  }
0x87: {  	_ =	shalt  }
.Lfunc_end0:
.L_simem_size_0:
called_computation_lowered:
.L_overlay_start_0:
0x88: {  	s2 =	sld [smem:$0x3FD9]  }
0x89: {  	s3 =	sld [smem:$0x3FFE];
	_ =	sdelay $0x1  }
0x8a: {  	s1 =	srdreg.scid  }
0x8b: {  	s0 =	sand.u32 $0x1, s1  }
0x8c: {  	s17 =	sshll.u32 s0, $0xA;
	s2 =	sadd.s32 s3, s2  }
0x8d: {  	s2 =	sadd.s32 s2, s17  }
0x8e: {  	[smem:$0x3FC6] =	sst s2  }
0x8f: {  	_ = 	snop  }
0x90: {  	s2 =	sld [smem:$0x3FD0];
	(tm) =	ssettm $0x1  }
0x91: {  	s18 =	sld [smem:$0x3FFB];
	_ =	sdelay $0x3  }
0x92: {  	_ =	strace s18  }
0x93: {  	s3 =	sld [smem:$0x3FFC];
	_ =	sdelay $0x3  }
0x94: {  	_ =	strace s3  }
0x95: {  	s3 =	sld [smem:$0x3FFD];
	_ =	sdelay $0x3  }
0x96: {  	_ =	strace s3  }
0x97: {  	_ =	strace $0x8FFFFFFF  }
0x98: {  	s19 =	sld [smem:$0x3FDB];
	_ =	sdelay $0x1  }
0x99: {  	s4 =	simm.s32 $_scs_section_size  }
0x9a: {  	s5 =	simm.s32 $_size__tile_overlayer_lowered;
	s6 =	simm.s32 $_tile_overlayer_lowered  }
0x9b: {  	s22 =	simm.s32 $0x1BFF;
	s21 =	sshll.u32 s6, $0x1;
	s3 =	sadd.s32 s4, s19  }
0x9c: {  	s7 =	simm.s32 $0x0;
	s20 =	sshll.u32 s5, $0x1;
	s5 =	sadd.s32 s21, s3  }
0x9d: {  	[timem:s7], [sflag:s22] =	dma.local [hbm:s5], s20  }
0x9e: {  	_ =	swait.ge [sflag:s22], s20  }
0x9f: {  	s4 =	ssub.s32 $0x0, s20;
	[sflag:s22] =	ssyncset.done $0x0  }
0xa0: {  	[sflag:s22] =	ssyncadd.s32 s4;
	_ =	sdelay $0x1  }
0xa1: {  	s23 =	simm.s32 $0x1B8B  }
0xa2: {  	_ =	swait.ge [sflag:s23], $0x1  }
0xa3: {  	[sflag:s23] =	ssyncset.done $0x0  }
0xa4: {  	s25 =	simm.s32 $0x1B8E;
	s24 =	sld [smem:$0x3FFE];
	[sflag:s23] =	ssyncadd.s32 $0xFFFFFFFF  }
0xa5: {  	s26 =	simm.s32 $execute0_lowered;
	[smem:$0x3FD2] =	sst s25  }
0xa6: {  	s5 =	sshll.u32 s26, $0x1;
	_ =	strace $0x80000046;
	[dreg:$0x1] =	wrdreg $0xFFFFFFFF  }
0xa7: {  	s28 =	simm.s32 $_size_execute0_lowered;
	s3 =	sadd.s32 s3, s5;
	[dreg:$0x0] =	wrdreg $0x0  }
0xa8: {  	s5 =	sshll.u32 s28, $0x1;
	[dreg:$0x2] =	wrdreg s3  }
0xa9: {  	[dreg:$0x3] =	wrdreg s5  }
0xaa: {  	[dreg:$0x4] =	wrdreg $0xC0  }
0xab: {  	_ =	task [dreg:s7], $0x5FFFF  }
0xac: {  	[dreg:$0x1] =	wrdreg $0xFFFFFFFF  }
0xad: {  	[dreg:$0x0] =	wrdreg $0x60  }
0xae: {  	[dreg:$0x2] =	wrdreg s24  }
0xaf: {  	[dreg:$0x3] =	wrdreg s2  }
0xb0: {  	[dreg:$0x4] =	wrdreg $0x9  }
0xb1: {  	_ =	task.clear_ibuf [dreg:s7], $0x5FFFF;
	_ =	strace $0x90000046  }
0xb2: {  	s29 =	simm.s32 $0x9;
	_ =	strace $0x80000048  }
0xb3: {  	_ =	swait.ge [sflag:s29], $0x1  }
0xb4: {  	[sflag:s29] =	ssyncadd.s32 $0xFFFFFFFF  }
0xb5: {  	_ =	strace $0x90000048  }
0xb6: {  	_ =	sfence  }
0xb7: {  	s30 =	sld [smem:$0x0];
	_ =	sdelay $0x2  }
0xb8: {  	s31 =	sshll.u32 s1, $0xD;
	s1 =	sshrl.u32 s1, $0x2  }
0xb9: {  	s3 =	sand.u32 $0x4000, s31;
	s1 =	sadd.s32 s1, s30  }
0xba: {  	s0 =	sor.u32 s3, s0;
	s1 =	sshll.u32 s1, $0x11  }
0xbb: {  	s0 =	sor.u32 s1, s0  }
0xbc: {  	s0 =	sadd.s32 $0x8F2B, s0  }
0xbd: {  	[sflag:s0] =	ssyncadd.remote.s32 $0x1  }
0xbe: {  	_ =	sfence.sel $0xFFFF  }
0xbf: {  	[dreg:$0x0] =	wrdreg $0xFFFFFFFF;
	(pc) =	sbr.abs _section_cstart, $3  }
0xc0: {  	[dreg:$0x1] =	wrdreg $0xFFFFFFFF  }
0xc1: {  	_ =	task.clear_ibuf [dreg:s7], $0x2FFFF;
	_ =	strace $0x9FFFFFFF  }
0xc2: {  	(tm) =	ssettm $0x7FFFFFFF  }
0xc3: {  	_ =	shalt  }
tec
execute0_lowered:
.L_overlay_start_1:
0x0: {  	(tag) =	ssettag $0x1  }
0x1: {  	s0 =	rddreg [dreg:$0x0];
	s1 =	srdreg.scid  }
0x2: {  	s3 =	stileid.u32;
	s2 =	rddreg [dreg:$0x1]  }
0x3: {  	s13 =	simm.s32 $0x5;
	s14 =	simm.s32 $0x320;
	s15 =	simm.s32 $0x640  }
0x4: {  	s16 =	simm.s32 $0x1;
	s17 =	simm.s32 $0x6;
	s18 =	simm.s32 $0xCE40  }
0x5: {  	s19 =	simm.s32 $0x19E40;
	s20 =	simm.s32 $0x19640;
	s21 =	simm.s32 $0x2  }
0x6: {  	s22 =	simm.s32 $0x19A40;
	s23 =	simm.s32 $0x3;
	s24 =	simm.s32 $0x4  }
0x7: {  	s25 =	simm.s32 $0x0;
	s1 =	sand.u32 $0x1, s1;
	s4 =	sshll.u32 s3, $0x1  }
0x8: {  	s3 =	simm.s32 $0x0;
	s5 =	sadd.s32 $0xF42A00, s0;
	s11 =	sadd.s32 $0x80, s2  }
0x9: {  	s9 =	sor.u32 s1, s4;
	[smem:$0x7FF] =	sst s3;
	s4 =	sadd.s32 $0x600, s0  }
0xa: {  	s1 =	ssub.s32 $0x2, s1;
	s6 =	smul.u32 $0xC80, s9;
	_ =	strace $0x80000047  }
0xb: {  	s30 =	sshrl.u32 s1, $0x1;
	s31 =	sshll.u32 s9, $0x9;
	s9 =	sshll.u32 s9, $0xC  }
0xc: {  	v0 =	vlaneseq.u32;
	s0 =	ssub.s32 s1, s30;
	s8 =	sor.u32 $0x20, s31;
	s6 =	sadd.s32 s4, s6  }
0xd: {  	v1 =	vimm.s32 $0x0;
	v0 =	vmul.u32 $0x32, v0;
	s10 =	sor.u32 $0x30, s31;
	s12 =	smax.u32 s0, $0x1;
	s7 =	sadd.s32 $0x64, s6  }
.LBB2_1:
0xe: {  	[tilespmem:s3], [sflag:$0x5] =	stream.linear.gather [hbm4b:s6+s3], $0x320, $0x38;
	[tilespmem:$0x19E50] =	vst v63  }
0xf: {  	_ =	swait.ge [sflag:s13], $0x320  }
0x10: {  	[sflag:s13] =	ssyncset.done $0x0  }
0x11: {  	[sflag:s13] =	ssyncadd.s32 $0xFFFFFCE0  }
0x12: {  	[tilespmem:s15], [sflag:$0x1] =	stream.indirect.gather [hbm4b:s5+s14], $0x40, s3, s14, $0xb8;
	[tilespmem:$0x19E50] =	vst v63  }
0x13: {  	s26 =	simm.s32 $0x0  }
0x14: {  	[tilespmem:s14], [sflag:$0x6] =	stream.linear.gather [hbm4b:s7+s3], $0x320, $0x38;
	[tilespmem:$0x19E50] =	vst v63  }
.LBB2_2:
0x15: {  	_ =	swait.ge [sflag:s16], $0xC800  }
0x16: {  	s0 =	simm.s32 $0x0;
	[sflag:s16] =	ssyncset.done $0x0  }
0x17: {  	s28 =	simm.s32 $0x1;
	v2 =	vadd.s32 s0, v0;
	[sflag:s16] =	ssyncadd.s32 $0xFFFF3800  }
0x18: {  	s29 =	simm.s32 $0x2;
	v3 =	vadd.s32 s28, v0;
	_ =	swait.ge [sflag:s17], $0x320  }
0x19: {  	s30 =	simm.s32 $0x3;
	v4 =	vadd.s32 s29, v0;
	[sflag:s17] =	ssyncset.done $0x0  }
0x1a: {  	s31 =	simm.s32 $0x4;
	v5 =	vadd.s32 s30, v0;
	[sflag:s17] =	ssyncadd.s32 $0xFFFFFCE0  }
0x1b: {  	v6 =	vadd.s32 s31, v0;
	[tilespmem:s18], [sflag:$0x2] =	stream.indirect.gather [hbm4b:s5+s14], $0x40, s14, s14, $0xb8;
	[tilespmem:$0x19E50] =	vst v63  }
0x1c: {  	s1 =	simm.s32 $0x5;
	v7 =	vld.idx.msk [tilespmem:v2+s3+$0x0], $0xffff  }
0x1d: {  	v10 =	vadd.s32 s1, v0;
	s28 =	simm.s32 $0x6;
	v11 =	vld.idx.msk [tilespmem:v3+s3+$0x0], $0xffff  }
0x1e: {  	s29 =	simm.s32 $0x7;
	v12 =	vadd.s32 s28, v0;
	v13 =	vld.idx.msk [tilespmem:v4+s3+$0x0], $0xffff  }
0x1f: {  	s30 =	simm.s32 $0x8;
	v15 =	vadd.s32 s29, v0;
	v14 =	vld.idx.msk [tilespmem:v5+s3+$0x0], $0xffff  }
0x20: {  	v16 =	vimm.s32 $0x0;
	s0 =	simm.s32 $0xA;
	s31 =	simm.s32 $0x9;
	v9 =	vadd.s32 s30, v0;
	v5 =	vld.idx.msk [tilespmem:v6+s3+$0x0], $0xffff  }
0x21: {  	s28 =	simm.s32 $0xB;
	v8 =	vadd.s32 s31, v0;
	v2 =	vadd.s32 s0, v0;
	vm0 =	vne.s32 v7, $0x0  }
0x22: {  	v3 =	vadd.s32 s28, v0;
	v6 =	vld.idx.msk [tilespmem:v10+s3+$0x0], $0xffff;
	v7 =	vsel vm0, $0x1, v1;
	vm0 =	vne.s32 v11, $0x0  }
0x23: {  	v4 =	vld.idx.msk [tilespmem:v12+s3+$0x0], $0xffff;
	v10 =	vadd.s32 v7, v16;
	v11 =	vsel vm0, $0x1, v1;
	vm0 =	vne.s32 v13, $0x0  }
0x24: {  	s1 =	simm.s32 $0xF;
	v7 =	vld.idx.msk [tilespmem:v15+s3+$0x0], $0xffff;
	v10 =	vadd.s32 v11, v10;
	v11 =	vsel vm0, $0x1, v1;
	vm0 =	vne.s32 v14, $0x0  }
.LBB2_3:
0x25: {  	p0 =	slt.u32 s1, $0x2D;
	s28 =	sadd.s32 $0x2, s0;
	v12 =	vld.idx.msk [tilespmem:v9+s3+$0x0], $0xffff;
	v9 =	vadd.s32 v11, v10;
	v10 =	vsel vm0, $0x1, v1;
	vm0 =	vne.s32 v5, $0x0  }
0x26: {  	v11 =	vadd.s32 s28, v0;
	s28 =	sadd.s32 $0x3, s0;
	v5 =	vld.idx.msk [tilespmem:v8+s3+$0x0], $0xffff;
	v8 =	vadd.s32 v10, v9;
	v10 =	vsel vm0, $0x1, v1  }
.Ltmp0:
0x27: {  	v9 =	vadd.s32 s28, v0;
	s28 =	sadd.s32 $0x4, s0;
	v10 =	vadd.s32 v10, v8;
	s0 =	smov.u32 s1;
	(pc) =	sbr.rel @p0 .LBB2_3-.Ltmp0, $4  }
0x28: {  	v13 =	vadd.s32 s1, v0;
	s29 =	sadd.s32 $0x1, s1;
	vm0 =	vne.s32 v6, $0x0;
	v8 =	vadd.s32 s28, v0  }
0x29: {  	v14 =	vadd.s32 s29, v0;
	v15 =	vsel vm0, $0x1, v1;
	vm0 =	vne.s32 v4, $0x0;
	v6 =	vld.idx.msk [tilespmem:v2+s3+$0x0], $0xffff;
	v2 =	vmovc v13  }
0x2a: {  	v10 =	vadd.s32 v15, v10;
	v13 =	vsel vm0, $0x1, v1;
	vm0 =	vne.s32 v7, $0x0;
	v4 =	vld.idx.msk [tilespmem:v3+s3+$0x0], $0xffff;
	v3 =	vmovc v14  }
0x2b: {  	s1 =	sadd.s32 $0x5, s1;
	v10 =	vadd.s32 v13, v10;
	v7 =	vld.idx.msk [tilespmem:v11+s3+$0x0], $0xffff;
	v11 =	vsel vm0, $0x1, v1;
	vm0 =	vne.s32 v12, $0x0  }
0x2c: {  	_ =	sdelay $0x1  }
0x2d: {  	s1 =	sadd.s32 $0x2, s0  }
0x2e: {  	s30 =	sadd.s32 $0x3, s0;
	v12 =	vadd.s32 s1, v0  }
0x2f: {  	v9 =	vld.idx.msk [tilespmem:v9+s3+$0x0], $0xffff;
	v10 =	vadd.s32 v11, v10;
	s31 =	sadd.s32 $0x4, s0;
	v49 =	vadd.s32 s30, v0  }
0x30: {  	v13 =	vsel vm0, $0x1, v1;
	vm5 =	vne.s32 v5, $0x0;
	v50 =	vld.idx.msk [tilespmem:v8+s3+$0x0], $0xffff;
	v51 =	vadd.s32 s31, v0  }
0x31: {  	v2 =	vld.idx.msk [tilespmem:v2+s3+$0x0], $0xffff;
	v10 =	vadd.s32 v13, v10;
	v52 =	vsel vm5, $0x1, v1;
	vm6 =	vne.s32 v6, $0x0  }
0x32: {  	v3 =	vld.idx.msk [tilespmem:v3+s3+$0x0], $0xffff;
	v53 =	vadd.s32 v52, v10;
	v54 =	vsel vm6, $0x1, v1;
	vm7 =	vne.s32 v4, $0x0  }
0x33: {  	v55 =	vadd.s32 v54, v53;
	v56 =	vsel vm7, $0x1, v1;
	vm8 =	vne.s32 v7, $0x0;
	v57 =	vld.idx.msk [tilespmem:v12+s3+$0x0], $0xffff  }
0x34: {  	v4 =	vadd.s32 v56, v55;
	v58 =	vsel vm8, $0x1, v1;
	vm9 =	vne.s32 v9, $0x0;
	v59 =	vld.idx.msk [tilespmem:v49+s3+$0x0], $0xffff  }
0x35: {  	vm10 =	vne.s32 v50, $0x0;
	v4 =	vadd.s32 v58, v4;
	v60 =	vsel vm9, $0x1, v1;
	v61 =	vld.idx.msk [tilespmem:v51+s3+$0x0], $0xffff  }
0x36: {  	vm11 =	vne.s32 v2, $0x0;
	v62 =	vsel vm10, $0x1, v1;
	v4 =	vadd.s32 v60, v4  }
0x37: {  	vm12 =	vne.s32 v3, $0x0;
	v63 =	vsel vm11, $0x1, v1;
	v2 =	vadd.s32 v62, v4  }
0x38: {  	v3 =	vsel vm12, $0x1, v1;
	v2 =	vadd.s32 v63, v2;
	vm13 =	vne.s32 v57, $0x0  }
0x39: {  	v2 =	vadd.s32 v3, v2;
	vm14 =	vne.s32 v59, $0x0;
	v3 =	vsel vm13, $0x1, v1  }
0x3a: {  	vm15 =	vne.s32 v61, $0x0;
	v2 =	vadd.s32 v3, v2;
	v3 =	vsel vm14, $0x1, v1  }
0x3b: {  	v2 =	vadd.s32 v3, v2;
	v3 =	vsel vm15, $0x1, v1  }
0x3c: {  	v2 =	vadd.s32 v3, v2  }
0x3d: {  	v2 =	vcvt.s32.f32 v2;
	_ =	sdelay $0x1  }
0x3e: {  	(erf) = vrcp.f32 v2;
	_ =	sdelay $0x2  }
0x3f: {  	p0 =	seq.s32 s26, $0xF  }
0x40: {  	s28 =	sshll.u32 @!p0 s26, $0x5  }
0x41: {  	p1 =	seq.s32 @!p0 s26, $0x0;
	s0 =	sadd.s32 @!p0 s28, s8  }
0x42: {  	p1 =	por p0, !p1;
	s0 =	smul.u32 @!p0 $0x32, s0  }
.Ltmp1:
0x43: {  	_ = 	snop;
	(pc) =	sbr.rel @!p1 .LBB2_5-.Ltmp1, $4  }
0x44: {  	_ = 	snop  }
0x45: {  	s0 =	sshrl.u32 @!p0 s0, $0x3;
	v2 =	vpop (erf)  }
0x46: {  	s1 =	simm.s32 @!p0 $0x0;
	s0 =	sadd.s32 @!p0 s4, s0;
	[tilespmem:$0x19E40] =	vst v2  }
0x47: {  	[tilespmem:s1], [sflag:$0x5] =	stream.linear.gather @!p0 [hbm4b:s0+s1], $0x320, $0x38;
	[tilespmem:$0x19E50] =	vst v63  }
.Ltmp2:
0x48: {  	(pc) =	sbr.rel .LBB2_7-.Ltmp2, $4  }
0x49: {  	_ = 	snop  }
0x4a: {  	_ =	swait.ge [sflag:s23], $0x400  }
0x4b: {  	[sflag:s23] =	ssyncset.done $0x0  }
0x4c: {  	p1 =	por $0x0, $0x0;
	[sflag:s23] =	ssyncadd.s32 $0xFFFFFC00  }
.LBB2_5:
0x4d: {  	p1 =	por @!p0 $0x1, $0x1  }
.LBB2_7:
0x4e: {  	s29 =	sshll.u32 s26, $0x8;
	s30 =	simm.s32 $0x0;
	s31 =	simm.s32 $0x780  }
.LBB2_8:
0x4f: {  	v3 =	vld [tilespmem:s31+$0x100]  }
0x50: {  	v4 =	vld [tilespmem:s31+$0x110]  }
0x51: {  	v5 =	vld [tilespmem:s31+$0xC0]  }
0x52: {  	v6 =	vld [tilespmem:s31+$0xD0]  }
0x53: {  	v12 =	vld [tilespmem:s31+$0x80]  }
0x54: {  	v15 =	vld [tilespmem:s31+$0x90]  }
0x55: {  	v10 =	vld [tilespmem:s31+$0x40]  }
0x56: {  	v11 =	vld [tilespmem:s31+$0x50]  }
0x57: {  	v8 =	vld [tilespmem:s31+$0x0]  }
0x58: {  	v9 =	vld [tilespmem:s31+$0x10]  }
0x59: {  	v7 =	vld [tilespmem:s31+$0xFFFFFFC0]  }
0x5a: {  	v13 =	vld [tilespmem:s31+$0xFFFFFFD0]  }
0x5b: {  	v14 =	vld [tilespmem:s31+$0xFFFFFF80]  }
0x5c: {  	v16 =	vld [tilespmem:s31+$0xFFFFFF90]  }
0x5d: {  	v17 =	vld [tilespmem:s31+$0xFFFFFF40]  }
0x5e: {  	v18 =	vld [tilespmem:s31+$0xFFFFFF50]  }
0x5f: {  	v19 =	vld [tilespmem:s31+$0xFFFFFF00]  }
0x60: {  	v20 =	vld [tilespmem:s31+$0xFFFFFF10]  }
0x61: {  	v21 =	vld [tilespmem:s31+$0xFFFFFEC0]  }
0x62: {  	v22 =	vld [tilespmem:s31+$0xFFFFFED0]  }
0x63: {  	v23 =	vld [tilespmem:s31+$0xFFFFFEE0]  }
0x64: {  	v24 =	vld [tilespmem:s31+$0xFFFFFEF0]  }
0x65: {  	v25 =	vld [tilespmem:s31+$0xFFFFFF20]  }
0x66: {  	v26 =	vld [tilespmem:s31+$0xFFFFFF30]  }
0x67: {  	v28 =	vld [tilespmem:s31+$0xFFFFFF60]  }
0x68: {  	v27 =	vimm.f32 $0.0e+00;
	v29 =	vld [tilespmem:s31+$0xFFFFFF70]  }
0x69: {  	v53 =	vld [tilespmem:s31+$0xFFFFFFA0];
	v21 =	vadd.f32 v21, v27;
	v22 =	vadd.f32 v22, v27  }
0x6a: {  	v54 =	vld [tilespmem:s31+$0xFFFFFFB0];
	v23 =	vadd.f32 v23, v27;
	v24 =	vadd.f32 v24, v27  }
0x6b: {  	v2 =	vmov s30;
	v57 =	vld [tilespmem:s31+$0xFFFFFFE0];
	v19 =	vadd.f32 v19, v21;
	v20 =	vadd.f32 v20, v22  }
0x6c: {  	v60 =	vld [tilespmem:s31+$0x20];
	v55 =	vadd.f32 v25, v23;
	v56 =	vadd.f32 v26, v24  }
0x6d: {  	v17 =	vadd.f32 v17, v19;
	v18 =	vadd.f32 v18, v20;
	v19 =	vld [tilespmem:s31+$0xFFFFFFF0]  }
0x6e: {  	v62 =	vld [tilespmem:s31+$0x60];
	v58 =	vadd.f32 v28, v55;
	v59 =	vadd.f32 v29, v56  }
0x6f: {  	v14 =	vadd.f32 v14, v17;
	v16 =	vadd.f32 v16, v18;
	v17 =	vld [tilespmem:s31+$0x30]  }
0x70: {  	v2 =	vld.idx.msk [tilespmem:v2+s19+$0x0], $0xffff;
	v18 =	vadd.f32 v53, v58;
	v61 =	vadd.f32 v54, v59  }
0x71: {  	v14 =	vadd.f32 v7, v14;
	v13 =	vadd.f32 v13, v16;
	v16 =	vld [tilespmem:s31+$0x70]  }
0x72: {  	v18 =	vadd.f32 v57, v18;
	v7 =	vld [tilespmem:s31+$0xA0];
	v19 =	vadd.f32 v19, v61  }
0x73: {  	v14 =	vadd.f32 v8, v14;
	v13 =	vadd.f32 v9, v13;
	v9 =	vld [tilespmem:s31+$0xB0]  }
0x74: {  	v18 =	vadd.f32 v60, v18;
	v8 =	vld [tilespmem:s31+$0xE0];
	v17 =	vadd.f32 v17, v19  }
0x75: {  	v19 =	vadd.f32 v10, v14;
	v63 =	vadd.f32 v11, v13;
	v11 =	vld [tilespmem:s31+$0xF0]  }
0x76: {  	v14 =	vadd.f32 v62, v18;
	v10 =	vld [tilespmem:s31+$0x120];
	v13 =	vadd.f32 v16, v17  }
0x77: {  	s1 =	simm.s32 $0x0;
	s0 =	sadd.s32 $0x280, s31;
	v16 =	vadd.f32 v12, v19;
	v15 =	vadd.f32 v15, v63;
	v12 =	vld [tilespmem:s31+$0x130]  }
.LBB2_9:
0x78: {  	v17 =	vld [tilespmem:s0+$0x100];
	v7 =	vadd.f32 v7, v14;
	v9 =	vadd.f32 v9, v13  }
0x79: {  	v13 =	vld [tilespmem:s0+$0x110];
	v14 =	vadd.f32 v5, v16;
	v15 =	vadd.f32 v6, v15  }
0x7a: {  	v5 =	vld [tilespmem:s0+$0xC0];
	v7 =	vadd.f32 v8, v7;
	v8 =	vadd.f32 v11, v9  }
0x7b: {  	v6 =	vld [tilespmem:s0+$0xD0];
	v9 =	vadd.f32 v3, v14;
	v11 =	vadd.f32 v4, v15  }
0x7c: {  	v15 =	vld [tilespmem:s0+$0x80];
	v7 =	vadd.f32 v10, v7;
	v8 =	vadd.f32 v12, v8  }
0x7d: {  	v12 =	vld [tilespmem:s0+$0x90];
	v3 =	vmov v17  }
0x7e: {  	v10 =	vld [tilespmem:s0+$0x40];
	v4 =	vmov v13  }
0x7f: {  	v13 =	vld [tilespmem:s0+$0x50]  }
0x80: {  	v14 =	vld [tilespmem:s0+$0x0]  }
0x81: {  	v16 =	vld [tilespmem:s0+$0x10]  }
0x82: {  	v17 =	vld [tilespmem:s0+$0xFFFFFFC0]  }
0x83: {  	v18 =	vld [tilespmem:s0+$0xFFFFFFD0]  }
0x84: {  	v19 =	vld [tilespmem:s0+$0xFFFFFF80]  }
0x85: {  	v20 =	vld [tilespmem:s0+$0xFFFFFF90]  }
0x86: {  	v21 =	vld [tilespmem:s0+$0xFFFFFF40]  }
0x87: {  	v22 =	vld [tilespmem:s0+$0xFFFFFF50]  }
0x88: {  	v23 =	vld [tilespmem:s0+$0xFFFFFF00]  }
0x89: {  	v24 =	vld [tilespmem:s0+$0xFFFFFF10]  }
0x8a: {  	v25 =	vld [tilespmem:s0+$0xFFFFFEC0]  }
0x8b: {  	v26 =	vld [tilespmem:s0+$0xFFFFFED0]  }
0x8c: {  	v27 =	vld [tilespmem:s0+$0xFFFFFEE0]  }
0x8d: {  	s1 =	sadd.s32 $0xA, s1;
	v28 =	vld [tilespmem:s0+$0xFFFFFEF0]  }
0x8e: {  	p2 =	slt.u32 s1, $0x28;
	v29 =	vld [tilespmem:s0+$0xFFFFFF20]  }
0x8f: {  	v30 =	vld [tilespmem:s0+$0xFFFFFF30]  }
0x90: {  	v31 =	vld [tilespmem:s0+$0xFFFFFF60]  }
0x91: {  	v9 =	vadd.f32 v25, v9;
	v11 =	vadd.f32 v26, v11;
	v25 =	vld [tilespmem:s0+$0xFFFFFF70]  }
0x92: {  	v7 =	vadd.f32 v27, v7;
	v8 =	vadd.f32 v28, v8;
	v26 =	vld [tilespmem:s0+$0xFFFFFFA0]  }
0x93: {  	v9 =	vadd.f32 v23, v9;
	v11 =	vadd.f32 v24, v11;
	v23 =	vld [tilespmem:s0+$0xFFFFFFB0]  }
0x94: {  	v7 =	vadd.f32 v29, v7;
	v8 =	vadd.f32 v30, v8;
	v24 =	vld [tilespmem:s0+$0xFFFFFFE0]  }
0x95: {  	v9 =	vadd.f32 v21, v9;
	v11 =	vadd.f32 v22, v11;
	v21 =	vld [tilespmem:s0+$0xFFFFFFF0]  }
0x96: {  	v7 =	vadd.f32 v31, v7;
	v8 =	vadd.f32 v25, v8;
	v22 =	vld [tilespmem:s0+$0x20]  }
0x97: {  	v9 =	vadd.f32 v19, v9;
	v11 =	vadd.f32 v20, v11;
	v19 =	vld [tilespmem:s0+$0x30]  }
0x98: {  	v7 =	vadd.f32 v26, v7;
	v8 =	vadd.f32 v23, v8;
	v20 =	vld [tilespmem:s0+$0x60]  }
0x99: {  	v9 =	vadd.f32 v17, v9;
	v11 =	vadd.f32 v18, v11;
	v17 =	vld [tilespmem:s0+$0x70]  }
0x9a: {  	v18 =	vadd.f32 v24, v7;
	v8 =	vadd.f32 v21, v8;
	v7 =	vld [tilespmem:s0+$0xA0]  }
.Ltmp3:
0x9b: {  	v14 =	vadd.f32 v14, v9;
	v11 =	vadd.f32 v16, v11;
	v9 =	vld [tilespmem:s0+$0xB0];
	(pc) =	sbr.rel @p2 .LBB2_9-.Ltmp3, $4  }
0x9c: {  	v16 =	vadd.f32 v22, v18;
	v18 =	vadd.f32 v19, v8;
	v8 =	vld [tilespmem:s0+$0xE0]  }
0x9d: {  	v19 =	vadd.f32 v10, v14;
	v21 =	vadd.f32 v13, v11;
	v11 =	vld [tilespmem:s0+$0xF0]  }
0x9e: {  	v14 =	vadd.f32 v20, v16;
	v13 =	vadd.f32 v17, v18;
	v10 =	vld [tilespmem:s0+$0x120]  }
0x9f: {  	v16 =	vadd.f32 v15, v19;
	v15 =	vadd.f32 v12, v21;
	v12 =	vld [tilespmem:s0+$0x130];
	s0 =	sadd.s32 $0x280, s0  }
0xa0: {  	_ = 	snop  }
0xa1: {  	v7 =	vadd.f32 v7, v14;
	v5 =	vadd.f32 v5, v16  }
0xa2: {  	v9 =	vadd.f32 v9, v13;
	v6 =	vadd.f32 v6, v15  }
0xa3: {  	v7 =	vadd.f32 v8, v7;
	v3 =	vadd.f32 v3, v5  }
0xa4: {  	s0 =	sshll.u32 s30, $0x6;
	s30 =	sadd.s32 $0x1, s30;
	v62 =	vadd.f32 v11, v9;
	v4 =	vadd.f32 v4, v6  }
0xa5: {  	p2 =	sne.s32 s30, $0x10;
	v63 =	vadd.f32 v10, v7;
	v3 =	vmul.f32 v3, v2  }
.Ltmp4:
0xa6: {  	s0 =	sand.u32 $0x3FFFFFC0, s0;
	v5 =	vadd.f32 v12, v62;
	v4 =	vmul.f32 v4, v2;
	(pc) =	sbr.rel @p2 .LBB2_8-.Ltmp4, $4  }
0xa7: {  	[tilespmem:s0+$0x19640] =	vst v3;
	v3 =	vmul.f32 v63, v2  }
0xa8: {  	[tilespmem:s0+$0x19650] =	vst v4;
	v2 =	vmul.f32 v5, v2  }
0xa9: {  	[tilespmem:s0+$0x19660] =	vst v3  }
0xaa: {  	s31 =	sadd.s32 $0xC80, s31;
	[tilespmem:s0+$0x19670] =	vst v2  }
0xab: {  	s29 =	sadd.s32 s9, s29  }
0xac: {  	s0 =	sadd.s32 s2, s29  }
0xad: {  	[hbm4b:s0+s3] =	stream.linear.scatter [tilespmem:s20], [sflag:$0x3], $0x400, $0x38;
	[tilespmem:$0x19E50] =	vst v63  }
0xae: {  	_ =	swait.ge [sflag:s21], $0xC800  }
0xaf: {  	s1 =	simm.s32 $0x0;
	[sflag:s21] =	ssyncset.done $0x0  }
0xb0: {  	s31 =	simm.s32 $0x1;
	v2 =	vadd.s32 s1, v0;
	s0 =	simm.s32 @!p0 $0x5;
	[sflag:s21] =	ssyncadd.s32 $0xFFFF3800  }
0xb1: {  	s30 =	simm.s32 @!p0 $0x0;
	v3 =	vadd.s32 s31, v0;
	s1 =	simm.s32 $0x2;
	_ =	swait.ge @!p0 [sflag:s0], $0x320  }
0xb2: {  	s31 =	simm.s32 @!p0 $0x640;
	v4 =	vadd.s32 s1, v0;
	s1 =	simm.s32 $0x3;
	[sflag:s0] =	ssyncset.done @!p0 $0x0  }
0xb3: {  	v5 =	vadd.s32 s1, v0;
	s1 =	simm.s32 $0x4;
	[sflag:s0] =	ssyncadd.s32 @!p0 $0xFFFFFCE0;
	s0 =	simm.s32 @!p0 $0x320  }
0xb4: {  	v6 =	vadd.s32 s1, v0;
	[tilespmem:s31], [sflag:$0x1] =	stream.indirect.gather @!p0 [hbm4b:s5+s0], $0x40, s30, s0, $0xb8;
	[tilespmem:$0x19E50] =	vst v63  }
0xb5: {  	s30 =	simm.s32 $0x5;
	v7 =	vld.idx.msk [tilespmem:v2+s14+$0x0], $0xffff  }
0xb6: {  	s31 =	simm.s32 $0x6;
	v10 =	vadd.s32 s30, v0;
	v11 =	vld.idx.msk [tilespmem:v3+s14+$0x0], $0xffff  }
0xb7: {  	s1 =	simm.s32 $0x7;
	v12 =	vadd.s32 s31, v0;
	v13 =	vld.idx.msk [tilespmem:v4+s14+$0x0], $0xffff  }
0xb8: {  	v15 =	vadd.s32 s1, v0;
	v14 =	vld.idx.msk [tilespmem:v5+s14+$0x0], $0xffff;
	s30 =	simm.s32 $0x8  }
0xb9: {  	v16 =	vimm.s32 $0x0;
	s1 =	simm.s32 $0x9;
	s0 =	simm.s32 $0xA;
	v5 =	vld.idx.msk [tilespmem:v6+s14+$0x0], $0xffff;
	v9 =	vadd.s32 s30, v0  }
0xba: {  	v8 =	vadd.s32 s1, v0;
	v2 =	vadd.s32 s0, v0;
	s31 =	simm.s32 $0xB;
	vm0 =	vne.s32 v7, $0x0  }
0xbb: {  	v3 =	vadd.s32 s31, v0;
	v6 =	vld.idx.msk [tilespmem:v10+s14+$0x0], $0xffff;
	v7 =	vsel vm0, $0x1, v1;
	vm0 =	vne.s32 v11, $0x0  }
0xbc: {  	v4 =	vld.idx.msk [tilespmem:v12+s14+$0x0], $0xffff;
	v10 =	vadd.s32 v7, v16;
	v11 =	vsel vm0, $0x1, v1;
	vm0 =	vne.s32 v13, $0x0  }
0xbd: {  	s1 =	simm.s32 $0xF;
	v7 =	vld.idx.msk [tilespmem:v15+s14+$0x0], $0xffff;
	v10 =	vadd.s32 v11, v10;
	v11 =	vsel vm0, $0x1, v1;
	vm0 =	vne.s32 v14, $0x0  }
.LBB2_12:
0xbe: {  	p2 =	slt.u32 s1, $0x2D;
	s30 =	sadd.s32 $0x2, s0;
	v12 =	vld.idx.msk [tilespmem:v9+s14+$0x0], $0xffff;
	v9 =	vadd.s32 v11, v10;
	v10 =	vsel vm0, $0x1, v1;
	vm0 =	vne.s32 v5, $0x0  }
0xbf: {  	v11 =	vadd.s32 s30, v0;
	s30 =	sadd.s32 $0x3, s0;
	v5 =	vld.idx.msk [tilespmem:v8+s14+$0x0], $0xffff;
	v8 =	vadd.s32 v10, v9;
	v10 =	vsel vm0, $0x1, v1  }
.Ltmp5:
0xc0: {  	v9 =	vadd.s32 s30, v0;
	s30 =	sadd.s32 $0x4, s0;
	v10 =	vadd.s32 v10, v8;
	s0 =	smov.u32 s1;
	(pc) =	sbr.rel @p2 .LBB2_12-.Ltmp5, $4  }
0xc1: {  	v13 =	vadd.s32 s1, v0;
	s31 =	sadd.s32 $0x1, s1;
	vm0 =	vne.s32 v6, $0x0;
	v8 =	vadd.s32 s30, v0  }
0xc2: {  	v14 =	vadd.s32 s31, v0;
	v15 =	vsel vm0, $0x1, v1;
	vm0 =	vne.s32 v4, $0x0;
	v6 =	vld.idx.msk [tilespmem:v2+s14+$0x0], $0xffff;
	v2 =	vmovc v13  }
0xc3: {  	v10 =	vadd.s32 v15, v10;
	v13 =	vsel vm0, $0x1, v1;
	vm0 =	vne.s32 v7, $0x0;
	v4 =	vld.idx.msk [tilespmem:v3+s14+$0x0], $0xffff;
	v3 =	vmovc v14  }
0xc4: {  	s1 =	sadd.s32 $0x5, s1;
	v10 =	vadd.s32 v13, v10;
	v7 =	vld.idx.msk [tilespmem:v11+s14+$0x0], $0xffff;
	v11 =	vsel vm0, $0x1, v1;
	vm0 =	vne.s32 v12, $0x0  }
0xc5: {  	_ =	sdelay $0x1  }
0xc6: {  	s1 =	sadd.s32 $0x2, s0  }
0xc7: {  	s31 =	sadd.s32 $0x3, s0;
	v12 =	vadd.s32 s1, v0  }
0xc8: {  	v9 =	vld.idx.msk [tilespmem:v9+s14+$0x0], $0xffff;
	v10 =	vadd.s32 v11, v10;
	v49 =	vadd.s32 s31, v0;
	s31 =	sadd.s32 $0x4, s0  }
0xc9: {  	v13 =	vsel vm0, $0x1, v1;
	vm5 =	vne.s32 v5, $0x0;
	v50 =	vld.idx.msk [tilespmem:v8+s14+$0x0], $0xffff;
	v51 =	vadd.s32 s31, v0  }
0xca: {  	v2 =	vld.idx.msk [tilespmem:v2+s14+$0x0], $0xffff;
	v10 =	vadd.s32 v13, v10;
	v52 =	vsel vm5, $0x1, v1;
	vm6 =	vne.s32 v6, $0x0  }
0xcb: {  	v3 =	vld.idx.msk [tilespmem:v3+s14+$0x0], $0xffff;
	v53 =	vadd.s32 v52, v10;
	v54 =	vsel vm6, $0x1, v1;
	vm7 =	vne.s32 v4, $0x0  }
0xcc: {  	v55 =	vadd.s32 v54, v53;
	v56 =	vsel vm7, $0x1, v1;
	vm8 =	vne.s32 v7, $0x0;
	v57 =	vld.idx.msk [tilespmem:v12+s14+$0x0], $0xffff  }
0xcd: {  	v4 =	vadd.s32 v56, v55;
	v58 =	vsel vm8, $0x1, v1;
	vm9 =	vne.s32 v9, $0x0;
	v59 =	vld.idx.msk [tilespmem:v49+s14+$0x0], $0xffff  }
0xce: {  	vm10 =	vne.s32 v50, $0x0;
	v4 =	vadd.s32 v58, v4;
	v60 =	vsel vm9, $0x1, v1;
	v61 =	vld.idx.msk [tilespmem:v51+s14+$0x0], $0xffff  }
0xcf: {  	vm11 =	vne.s32 v2, $0x0;
	v62 =	vsel vm10, $0x1, v1;
	v4 =	vadd.s32 v60, v4  }
0xd0: {  	vm12 =	vne.s32 v3, $0x0;
	v63 =	vsel vm11, $0x1, v1;
	v2 =	vadd.s32 v62, v4  }
0xd1: {  	v3 =	vsel vm12, $0x1, v1;
	v2 =	vadd.s32 v63, v2;
	vm13 =	vne.s32 v57, $0x0  }
0xd2: {  	v2 =	vadd.s32 v3, v2;
	vm14 =	vne.s32 v59, $0x0;
	v3 =	vsel vm13, $0x1, v1  }
0xd3: {  	vm15 =	vne.s32 v61, $0x0;
	v2 =	vadd.s32 v3, v2;
	v3 =	vsel vm14, $0x1, v1  }
0xd4: {  	v2 =	vadd.s32 v3, v2;
	v3 =	vsel vm15, $0x1, v1  }
0xd5: {  	v2 =	vadd.s32 v3, v2  }
0xd6: {  	v2 =	vcvt.s32.f32 v2;
	_ =	sdelay $0x1  }
0xd7: {  	(erf) = vrcp.f32 v2;
	_ =	sdelay $0x5  }
0xd8: {  	s0 =	sadd.s32 @!p0 s28, s10  }
0xd9: {  	s0 =	smul.u32 @!p0 $0x32, s0;
	_ =	sdelay $0x1  }
0xda: {  	s0 =	sshrl.u32 @!p0 s0, $0x3;
	v2 =	vpop (erf)  }
0xdb: {  	s1 =	simm.s32 @!p0 $0x0;
	s28 =	simm.s32 @!p0 $0x320;
	s0 =	sadd.s32 @!p0 s4, s0;
	[tilespmem:$0x19E40] =	vst v2  }
0xdc: {  	[tilespmem:s28], [sflag:$0x6] =	stream.linear.gather @!p0 [hbm4b:s0+s1], $0x320, $0x38;
	[tilespmem:$0x19E50] =	vst v63  }
0xdd: {  	p0 =	por p0, !p1  }
0xde: {  	_ =	swait.ge @p0 [sflag:s24], $0x400  }
0xdf: {  	[sflag:s24] =	ssyncset.done @p0 $0x0  }
0xe0: {  	s30 =	simm.s32 $0xCF80;
	s28 =	simm.s32 $0x0;
	[sflag:s24] =	ssyncadd.s32 @p0 $0xFFFFFC00  }
.LBB2_14:
0xe1: {  	v3 =	vld [tilespmem:s30+$0x100]  }
0xe2: {  	v4 =	vld [tilespmem:s30+$0x110]  }
0xe3: {  	v5 =	vld [tilespmem:s30+$0xC0]  }
0xe4: {  	v6 =	vld [tilespmem:s30+$0xD0]  }
0xe5: {  	v12 =	vld [tilespmem:s30+$0x80]  }
0xe6: {  	v15 =	vld [tilespmem:s30+$0x90]  }
0xe7: {  	v10 =	vld [tilespmem:s30+$0x40]  }
0xe8: {  	v11 =	vld [tilespmem:s30+$0x50]  }
0xe9: {  	v8 =	vld [tilespmem:s30+$0x0]  }
0xea: {  	v9 =	vld [tilespmem:s30+$0x10]  }
0xeb: {  	v7 =	vld [tilespmem:s30+$0xFFFFFFC0]  }
0xec: {  	v13 =	vld [tilespmem:s30+$0xFFFFFFD0]  }
0xed: {  	v14 =	vld [tilespmem:s30+$0xFFFFFF80]  }
0xee: {  	v16 =	vld [tilespmem:s30+$0xFFFFFF90]  }
0xef: {  	v17 =	vld [tilespmem:s30+$0xFFFFFF40]  }
0xf0: {  	v18 =	vld [tilespmem:s30+$0xFFFFFF50]  }
0xf1: {  	v19 =	vld [tilespmem:s30+$0xFFFFFF00]  }
0xf2: {  	v20 =	vld [tilespmem:s30+$0xFFFFFF10]  }
0xf3: {  	v21 =	vld [tilespmem:s30+$0xFFFFFEC0]  }
0xf4: {  	v22 =	vld [tilespmem:s30+$0xFFFFFED0]  }
0xf5: {  	v23 =	vld [tilespmem:s30+$0xFFFFFEE0]  }
0xf6: {  	v24 =	vld [tilespmem:s30+$0xFFFFFEF0]  }
0xf7: {  	v25 =	vld [tilespmem:s30+$0xFFFFFF20]  }
0xf8: {  	v26 =	vld [tilespmem:s30+$0xFFFFFF30]  }
0xf9: {  	v28 =	vld [tilespmem:s30+$0xFFFFFF60]  }
0xfa: {  	v27 =	vimm.f32 $0.0e+00;
	v29 =	vld [tilespmem:s30+$0xFFFFFF70]  }
0xfb: {  	v53 =	vld [tilespmem:s30+$0xFFFFFFA0];
	v21 =	vadd.f32 v21, v27;
	v22 =	vadd.f32 v22, v27  }
0xfc: {  	v54 =	vld [tilespmem:s30+$0xFFFFFFB0];
	v23 =	vadd.f32 v23, v27;
	v24 =	vadd.f32 v24, v27  }
0xfd: {  	v2 =	vmov s28;
	v57 =	vld [tilespmem:s30+$0xFFFFFFE0];
	v19 =	vadd.f32 v19, v21;
	v20 =	vadd.f32 v20, v22  }
0xfe: {  	v60 =	vld [tilespmem:s30+$0x20];
	v55 =	vadd.f32 v25, v23;
	v56 =	vadd.f32 v26, v24  }
0xff: {  	v17 =	vadd.f32 v17, v19;
	v18 =	vadd.f32 v18, v20;
	v19 =	vld [tilespmem:s30+$0xFFFFFFF0]  }
0x100: {  	v62 =	vld [tilespmem:s30+$0x60];
	v58 =	vadd.f32 v28, v55;
	v59 =	vadd.f32 v29, v56  }
0x101: {  	v14 =	vadd.f32 v14, v17;
	v16 =	vadd.f32 v16, v18;
	v17 =	vld [tilespmem:s30+$0x30]  }
0x102: {  	v2 =	vld.idx.msk [tilespmem:v2+s19+$0x0], $0xffff;
	v18 =	vadd.f32 v53, v58;
	v61 =	vadd.f32 v54, v59  }
0x103: {  	v14 =	vadd.f32 v7, v14;
	v13 =	vadd.f32 v13, v16;
	v16 =	vld [tilespmem:s30+$0x70]  }
0x104: {  	v18 =	vadd.f32 v57, v18;
	v7 =	vld [tilespmem:s30+$0xA0];
	v19 =	vadd.f32 v19, v61  }
0x105: {  	v14 =	vadd.f32 v8, v14;
	v13 =	vadd.f32 v9, v13;
	v9 =	vld [tilespmem:s30+$0xB0]  }
0x106: {  	v18 =	vadd.f32 v60, v18;
	v8 =	vld [tilespmem:s30+$0xE0];
	v17 =	vadd.f32 v17, v19  }
0x107: {  	v19 =	vadd.f32 v10, v14;
	v63 =	vadd.f32 v11, v13;
	v11 =	vld [tilespmem:s30+$0xF0]  }
0x108: {  	v14 =	vadd.f32 v62, v18;
	v10 =	vld [tilespmem:s30+$0x120];
	v13 =	vadd.f32 v16, v17  }
0x109: {  	s1 =	simm.s32 $0x0;
	s0 =	sadd.s32 $0x280, s30;
	v16 =	vadd.f32 v12, v19;
	v15 =	vadd.f32 v15, v63;
	v12 =	vld [tilespmem:s30+$0x130]  }
.LBB2_15:
0x10a: {  	v17 =	vld [tilespmem:s0+$0x100];
	v7 =	vadd.f32 v7, v14;
	v9 =	vadd.f32 v9, v13  }
0x10b: {  	v13 =	vld [tilespmem:s0+$0x110];
	v14 =	vadd.f32 v5, v16;
	v15 =	vadd.f32 v6, v15  }
0x10c: {  	v5 =	vld [tilespmem:s0+$0xC0];
	v7 =	vadd.f32 v8, v7;
	v8 =	vadd.f32 v11, v9  }
0x10d: {  	v6 =	vld [tilespmem:s0+$0xD0];
	v9 =	vadd.f32 v3, v14;
	v11 =	vadd.f32 v4, v15  }
0x10e: {  	v15 =	vld [tilespmem:s0+$0x80];
	v7 =	vadd.f32 v10, v7;
	v8 =	vadd.f32 v12, v8  }
0x10f: {  	v12 =	vld [tilespmem:s0+$0x90];
	v3 =	vmov v17  }
0x110: {  	v10 =	vld [tilespmem:s0+$0x40];
	v4 =	vmov v13  }
0x111: {  	v13 =	vld [tilespmem:s0+$0x50]  }
0x112: {  	v14 =	vld [tilespmem:s0+$0x0]  }
0x113: {  	v16 =	vld [tilespmem:s0+$0x10]  }
0x114: {  	v17 =	vld [tilespmem:s0+$0xFFFFFFC0]  }
0x115: {  	v18 =	vld [tilespmem:s0+$0xFFFFFFD0]  }
0x116: {  	v19 =	vld [tilespmem:s0+$0xFFFFFF80]  }
0x117: {  	v20 =	vld [tilespmem:s0+$0xFFFFFF90]  }
0x118: {  	v21 =	vld [tilespmem:s0+$0xFFFFFF40]  }
0x119: {  	v22 =	vld [tilespmem:s0+$0xFFFFFF50]  }
0x11a: {  	v23 =	vld [tilespmem:s0+$0xFFFFFF00]  }
0x11b: {  	v24 =	vld [tilespmem:s0+$0xFFFFFF10]  }
0x11c: {  	v25 =	vld [tilespmem:s0+$0xFFFFFEC0]  }
0x11d: {  	v26 =	vld [tilespmem:s0+$0xFFFFFED0]  }
0x11e: {  	v27 =	vld [tilespmem:s0+$0xFFFFFEE0]  }
0x11f: {  	s1 =	sadd.s32 $0xA, s1;
	v28 =	vld [tilespmem:s0+$0xFFFFFEF0]  }
0x120: {  	p0 =	slt.u32 s1, $0x28;
	v29 =	vld [tilespmem:s0+$0xFFFFFF20]  }
0x121: {  	v30 =	vld [tilespmem:s0+$0xFFFFFF30]  }
0x122: {  	v31 =	vld [tilespmem:s0+$0xFFFFFF60]  }
0x123: {  	v9 =	vadd.f32 v25, v9;
	v11 =	vadd.f32 v26, v11;
	v25 =	vld [tilespmem:s0+$0xFFFFFF70]  }
0x124: {  	v7 =	vadd.f32 v27, v7;
	v8 =	vadd.f32 v28, v8;
	v26 =	vld [tilespmem:s0+$0xFFFFFFA0]  }
0x125: {  	v9 =	vadd.f32 v23, v9;
	v11 =	vadd.f32 v24, v11;
	v23 =	vld [tilespmem:s0+$0xFFFFFFB0]  }
0x126: {  	v7 =	vadd.f32 v29, v7;
	v8 =	vadd.f32 v30, v8;
	v24 =	vld [tilespmem:s0+$0xFFFFFFE0]  }
0x127: {  	v9 =	vadd.f32 v21, v9;
	v11 =	vadd.f32 v22, v11;
	v21 =	vld [tilespmem:s0+$0xFFFFFFF0]  }
0x128: {  	v7 =	vadd.f32 v31, v7;
	v8 =	vadd.f32 v25, v8;
	v22 =	vld [tilespmem:s0+$0x20]  }
0x129: {  	v9 =	vadd.f32 v19, v9;
	v11 =	vadd.f32 v20, v11;
	v19 =	vld [tilespmem:s0+$0x30]  }
0x12a: {  	v7 =	vadd.f32 v26, v7;
	v8 =	vadd.f32 v23, v8;
	v20 =	vld [tilespmem:s0+$0x60]  }
0x12b: {  	v9 =	vadd.f32 v17, v9;
	v11 =	vadd.f32 v18, v11;
	v17 =	vld [tilespmem:s0+$0x70]  }
0x12c: {  	v18 =	vadd.f32 v24, v7;
	v8 =	vadd.f32 v21, v8;
	v7 =	vld [tilespmem:s0+$0xA0]  }
.Ltmp6:
0x12d: {  	v14 =	vadd.f32 v14, v9;
	v11 =	vadd.f32 v16, v11;
	v9 =	vld [tilespmem:s0+$0xB0];
	(pc) =	sbr.rel @p0 .LBB2_15-.Ltmp6, $4  }
0x12e: {  	v16 =	vadd.f32 v22, v18;
	v18 =	vadd.f32 v19, v8;
	v8 =	vld [tilespmem:s0+$0xE0]  }
0x12f: {  	v19 =	vadd.f32 v10, v14;
	v21 =	vadd.f32 v13, v11;
	v11 =	vld [tilespmem:s0+$0xF0]  }
0x130: {  	v14 =	vadd.f32 v20, v16;
	v13 =	vadd.f32 v17, v18;
	v10 =	vld [tilespmem:s0+$0x120]  }
0x131: {  	v16 =	vadd.f32 v15, v19;
	v15 =	vadd.f32 v12, v21;
	v12 =	vld [tilespmem:s0+$0x130];
	s0 =	sadd.s32 $0x280, s0  }
0x132: {  	_ = 	snop  }
0x133: {  	v7 =	vadd.f32 v7, v14;
	v5 =	vadd.f32 v5, v16  }
0x134: {  	v9 =	vadd.f32 v9, v13;
	v6 =	vadd.f32 v6, v15  }
0x135: {  	v7 =	vadd.f32 v8, v7;
	v3 =	vadd.f32 v3, v5  }
0x136: {  	s0 =	sshll.u32 s28, $0x6;
	s28 =	sadd.s32 $0x1, s28;
	v62 =	vadd.f32 v11, v9;
	v4 =	vadd.f32 v4, v6  }
0x137: {  	p0 =	sne.s32 s28, $0x10;
	v63 =	vadd.f32 v10, v7;
	v3 =	vmul.f32 v3, v2  }
.Ltmp7:
0x138: {  	s0 =	sand.u32 $0x3FFFFFC0, s0;
	v5 =	vadd.f32 v12, v62;
	v4 =	vmul.f32 v4, v2;
	(pc) =	sbr.rel @p0 .LBB2_14-.Ltmp7, $4  }
0x139: {  	[tilespmem:s0+$0x19A40] =	vst v3;
	v3 =	vmul.f32 v63, v2  }
0x13a: {  	[tilespmem:s0+$0x19A50] =	vst v4;
	v2 =	vmul.f32 v5, v2  }
0x13b: {  	[tilespmem:s0+$0x19A60] =	vst v3  }
0x13c: {  	s30 =	sadd.s32 $0xC80, s30;
	[tilespmem:s0+$0x19A70] =	vst v2  }
0x13d: {  	s26 =	sadd.s32 $0x1, s26  }
0x13e: {  	p0 =	sne.s32 s26, $0x10  }
.Ltmp8:
0x13f: {  	_ = 	snop;
	(pc) =	sbr.rel @p0 .LBB2_2-.Ltmp8, $3  }
0x140: {  	_ =	sdelay $0x1  }
0x141: {  	s0 =	sadd.s32 s29, s11  }
0x142: {  	[hbm4b:s0+s3] =	stream.linear.scatter [tilespmem:s22], [sflag:$0x4], $0x400, $0x38;
	[tilespmem:$0x19E50] =	vst v63  }
0x143: {  	s25 =	sadd.s32 $0x1, s25  }
0x144: {  	_ =	swait.ge [sflag:s23], $0x400;
	p0 =	sne.s32 s25, s12  }
.Ltmp9:
0x145: {  	[sflag:s23] =	ssyncset.done $0x0;
	(pc) =	sbr.rel @p0 .LBB2_1-.Ltmp9, $4  }
0x146: {  	[sflag:s23] =	ssyncadd.s32 $0xFFFFFC00  }
0x147: {  	_ =	swait.ge [sflag:s24], $0x400  }
0x148: {  	[sflag:s24] =	ssyncset.done $0x0  }
0x149: {  	[sflag:s24] =	ssyncadd.s32 $0xFFFFFC00  }
0x14a: {  	_ =	sfence.sel $0x180000  }
0x14b: {  	[bflag:$0x0] =	sbarrier.arrive $0xFFFF  }
0x14c: {  	_ =	strace $0x90000047  }
0x14d: {  	s0 =	stileid.u32;
	[bflag:$0x2] =	sbarrier.arrive $0xFFFF  }
0x14e: {  	p0 =	sne.s32 s0, $0x0;
	s0 =	rddreg [dreg:$0x2]  }
0x14f: {  	s0 =	sadd.s32 @!p0 $0x100000, s0  }
0x150: {  	[sflag:s0] =	ssyncadd.tile.s32 @!p0 $0x1;
	_ =	shalt  }
.Lfunc_end2:
_tile_overlayer_lowered:
.L_overlay_start_2:
0x151: {  	(tag) =	ssettag $0x2  }
0x152: {  	s0 =	rddreg [dreg:$0x0];
	s2 =	stileid.u32  }
0x153: {  	s1 =	rddreg [dreg:$0x1];
	p0 =	sne.s32 s2, $0x0  }
0x154: {  	s3 =	rddreg [dreg:$0x2];
	[bflag:$0x3] =	sbarrier.arrive $0xFFFF;
	s2 =	simm.s32 @!p0 $0x1C07  }
0x155: {  	[timem:s3], [sflag:s2] =	dma.local @!p0 [hbm:s0], s1  }
0x156: {  	s0 =	simm.s32 @!p0 $0x7  }
0x157: {  	_ =	swait.ge @!p0 [sflag:s0], s1  }
0x158: {  	s1 =	ssub.s32 @!p0 $0x0, s1;
	[sflag:s0] =	ssyncset.done @!p0 $0x0  }
0x159: {  	[sflag:s0] =	ssyncadd.s32 @!p0 s1  }
0x15a: {  	[bflag:$0x3] =	sbarrier.arrive $0xFFFF  }
0x15b: {  	_ =	shalt  }

</sc_bundles>
